<compile_context>
chip_gen: v7x
topology: tpu7x:2x2x1
jax: 0.10.2.dev20260603
libtpu: 0.0.44.dev20260713+nightly
codegen_flags: <defaults>
</compile_context>

<pallas_src>
import functools

import jax
import jax.numpy as jnp
from jax import lax
from jax.experimental import pallas as pl
from jax.experimental.pallas import tpu as pltpu
from jax.experimental.pallas import tpu_sc as plsc

B, T, D, E = 1, 2048, 768, 8
BT = 128
NT = T * 2 // BT + E
NSLOT = NT * BT
NEG = -1e30


def _route_body(x_ref, wg_ref, bg_ref, posk_ref, wt_ref, texp_ref):
    x = x_ref[...]
    logits = jnp.dot(x, wg_ref[...], preferred_element_type=jnp.float32)
    logits = logits + bg_ref[0]
    mx = jnp.max(logits, axis=-1, keepdims=True)
    p = jnp.exp(logits - mx)
    g = p / jnp.sum(p, axis=-1, keepdims=True)
    ecols = lax.broadcasted_iota(jnp.int32, (T, E), 1)
    m1 = jnp.max(g, axis=-1, keepdims=True)
    i1 = jnp.min(jnp.where(g == m1, ecols, E), axis=-1, keepdims=True)
    g2 = jnp.where(ecols == i1, NEG, g)
    m2 = jnp.max(g2, axis=-1, keepdims=True)
    i2 = jnp.min(jnp.where(g2 == m2, ecols, E), axis=-1, keepdims=True)
    denom = jnp.maximum(m1 + m2, 1e-12)
    w1 = m1 / denom
    w2 = m2 / denom
    mask = ((ecols == i1) | (ecols == i2)).astype(jnp.float32)
    s = mask
    sh = 1
    while sh < T:
        top = jnp.zeros((sh, E), jnp.float32)
        s = s + jnp.concatenate([top, s[: T - sh]], axis=0)
        sh *= 2
    exc = s - mask
    cnt = s[T - 1 : T, :]
    cnt_i = cnt.astype(jnp.int32)
    pc = ((cnt_i + (BT - 1)) // BT) * BT
    pcf = pc.astype(jnp.float32)
    er = lax.broadcasted_iota(jnp.int32, (E, E), 0)
    ec = lax.broadcasted_iota(jnp.int32, (E, E), 1)
    ls = (er < ec).astype(jnp.float32)
    off = jnp.dot(pcf, ls, preferred_element_type=jnp.float32)
    total = jnp.sum(pcf)
    offr = off + exc
    pos1 = jnp.sum(jnp.where(ecols == i1, offr, 0.0), axis=-1)
    pos2 = jnp.sum(jnp.where(ecols == i2, offr, 0.0), axis=-1)
    posk = jnp.concatenate(
        [pos1[None, :], pos2[None, :], jnp.zeros((6, T), jnp.float32)], axis=0)
    posk_ref[...] = posk.astype(jnp.int32)
    wfull = jnp.concatenate([w1, w2, jnp.zeros((T, E - 2), jnp.float32)], axis=1)
    wt_ref[...] = wfull
    tbase = (lax.broadcasted_iota(jnp.int32, (NT, 1), 0) * BT).astype(jnp.float32)
    inb = (tbase >= off) & (tbase < off + pcf)
    ecols2 = lax.broadcasted_iota(jnp.int32, (NT, E), 1)
    te = jnp.sum(jnp.where(inb, ecols2, 0), axis=-1)
    te = jnp.where(tbase[:, 0] < total, te, E - 1)
    texp_ref[...] = jnp.broadcast_to(te[None, :], (8, NT))


def _route(x2, Wg, bg2, interpret=False):
    return pl.pallas_call(
        _route_body,
        out_shape=(
            jax.ShapeDtypeStruct((8, T), jnp.int32),
            jax.ShapeDtypeStruct((T, E), jnp.float32),
            jax.ShapeDtypeStruct((8, NT), jnp.int32),
        ),
        interpret=interpret,
    )(x2, Wg, bg2)


TPW = T // 32


def _scatter_xs_body(x_hbm, pos_hbm, xs_hbm, rows_v, idx0_v, idx1_v,
                     so0, so1):
    cid = lax.axis_index("c")
    sid = lax.axis_index("s")
    wid = sid * 2 + cid
    base = wid * TPW
    pltpu.sync_copy(x_hbm.at[pl.ds(base, TPW)], rows_v)
    pltpu.sync_copy(pos_hbm.at[pl.ds(base, TPW)], idx0_v)
    pltpu.sync_copy(pos_hbm.at[pl.ds(T + base, TPW)], idx1_v)
    s0 = pltpu.async_copy(rows_v, xs_hbm.at[idx0_v], so0)
    s1 = pltpu.async_copy(rows_v, xs_hbm.at[idx1_v], so1)
    s0.wait()
    s1.wait()


def _scatter_xs(x2, posflat):
    mesh = plsc.VectorSubcoreMesh(core_axis_name="c", subcore_axis_name="s")
    f = pl.kernel(
        _scatter_xs_body,
        mesh=mesh,
        out_type=jax.ShapeDtypeStruct((NSLOT, D), jnp.float32),
        scratch_types=[
            pltpu.VMEM((TPW, D), jnp.float32),
            pltpu.VMEM((TPW,), jnp.int32),
            pltpu.VMEM((TPW,), jnp.int32),
            pltpu.SemaphoreType.DMA,
            pltpu.SemaphoreType.DMA,
        ],
        name="sc_scatter_xs",
    )
    return f(x2, posflat)


def _make_gather_sc(nrows):
    nw = 32
    rpw = nrows // nw
    half = rpw // 2

    def body(table_hbm, idx_hbm, out_hbm, idx_v, rows0, rows1,
             si0, si1, so0, so1):
        cid = lax.axis_index("c")
        sid = lax.axis_index("s")
        wid = sid * 2 + cid
        base = wid * rpw
        pltpu.sync_copy(idx_hbm.at[pl.ds(base, rpw)], idx_v)
        g0 = pltpu.async_copy(table_hbm.at[idx_v.at[pl.ds(0, half)]],
                              rows0, si0)
        g1 = pltpu.async_copy(table_hbm.at[idx_v.at[pl.ds(half, half)]],
                              rows1, si1)
        g0.wait()
        o0 = pltpu.async_copy(rows0, out_hbm.at[pl.ds(base, half)], so0)
        g1.wait()
        o1 = pltpu.async_copy(rows1, out_hbm.at[pl.ds(base + half, half)], so1)
        o0.wait()
        o1.wait()

    def run(table, idx):
        mesh = plsc.VectorSubcoreMesh(core_axis_name="c", subcore_axis_name="s")
        f = pl.kernel(
            body,
            mesh=mesh,
            out_type=jax.ShapeDtypeStruct((nrows, D), jnp.float32),
            scratch_types=[
                pltpu.VMEM((rpw,), jnp.int32),
                pltpu.VMEM((half, D), jnp.float32),
                pltpu.VMEM((half, D), jnp.float32),
                pltpu.SemaphoreType.DMA,
                pltpu.SemaphoreType.DMA,
                pltpu.SemaphoreType.DMA,
                pltpu.SemaphoreType.DMA,
            ],
            name=f"sc_gather_{nrows}",
        )
        return f(table, idx)

    return run


_gather_ys = _make_gather_sc(2 * T)


def _moe_body(texp_ref, xs_ref, w1_ref, b1_ref, w2_ref, b2_ref, w3_ref,
              b3_ref, ys_ref):
    x = xs_ref[...]
    h = jnp.dot(x, w1_ref[0], preferred_element_type=jnp.float32) + b1_ref[0, 0]
    h = jnp.where(h > 0, h, 0.01 * h)
    h = jnp.dot(h, w2_ref[0], preferred_element_type=jnp.float32) + b2_ref[0, 0]
    h = jnp.where(h > 0, h, 0.01 * h)
    y = jnp.dot(h, w3_ref[0], preferred_element_type=jnp.float32) + b3_ref[0, 0]
    ys_ref[...] = y


def _moe(texp, xs, W1, b1r, W2, b2r, W3, b3r, interpret=False):
    wmap = lambda i, s: (s[i], 0, 0)
    grid_spec = pltpu.PrefetchScalarGridSpec(
        num_scalar_prefetch=1,
        grid=(NT,),
        in_specs=[
            pl.BlockSpec((BT, D), lambda i, s: (i, 0)),
            pl.BlockSpec((1, D, D), wmap),
            pl.BlockSpec((1, 1, D), wmap),
            pl.BlockSpec((1, D, D), wmap),
            pl.BlockSpec((1, 1, D), wmap),
            pl.BlockSpec((1, D, D), wmap),
            pl.BlockSpec((1, 1, D), wmap),
        ],
        out_specs=pl.BlockSpec((BT, D), lambda i, s: (i, 0)),
    )
    return pl.pallas_call(
        _moe_body,
        grid_spec=grid_spec,
        out_shape=jax.ShapeDtypeStruct((NSLOT, D), jnp.float32),
        interpret=interpret,
    )(texp, xs, W1, b1r, W2, b2r, W3, b3r)


def _combine_body(ya_ref, yb_ref, wt_ref, out_ref):
    wa = wt_ref[:, 0:1]
    wb = wt_ref[:, 1:2]
    out_ref[...] = wa * ya_ref[...] + wb * yb_ref[...]


def _combine(yg, wt, interpret=False):
    nt = T // 256
    return pl.pallas_call(
        _combine_body,
        grid=(nt,),
        in_specs=[
            pl.BlockSpec((256, D), lambda i: (i, 0)),
            pl.BlockSpec((256, D), lambda i: (nt + i, 0)),
            pl.BlockSpec((256, E), lambda i: (i, 0)),
        ],
        out_specs=pl.BlockSpec((256, D), lambda i: (i, 0)),
        out_shape=jax.ShapeDtypeStruct((T, D), jnp.float32),
        interpret=interpret,
    )(yg, yg, wt)


@jax.jit
def _run(x2, Wg, bg2, W1, b1r, W2, b2r, W3, b3r):
    posk, wt, texp = _route(x2, Wg, bg2)
    posflat = posk[0:2, :].reshape(2 * T)
    xs = _scatter_xs(x2, posflat)
    ys = _moe(texp[0], xs, W1, b1r, W2, b2r, W3, b3r)
    yg = _gather_ys(ys, posflat)
    return _combine(yg, wt)


def kernel(x, topn, Wg, bg, W1, b1, W2, b2, W3, b3):
    del topn
    x2 = x.reshape(T, D)
    bg2 = bg.reshape(1, E)
    b1r = b1.reshape(E, 1, D)
    b2r = b2.reshape(E, 1, D)
    b3r = b3.reshape(E, 1, D)
    out = _run(x2, Wg, bg2, W1, b1r, W2, b2r, W3, b3r)
    return out.reshape(B, T, D)

# --- scband reference (transcript-rebuilt; emitter-appended) ---
"""Pipeline reference for scband-moe-decoder-31353261261315 (READ-ONLY COPY).

The authoritative reference and input builder live on the scoring server;
editing this copy changes nothing except your own understanding.
"""

import jax, jax.numpy as jnp
import numpy as np

B, T, D, E, K = 1, 2048, 768, 8, 2

def setup_inputs(seed: int = 0) -> dict:
    key = jax.random.key(seed)
    ks = jax.random.split(key, 8)
    x = jax.random.normal(ks[0], (B, T, D), dtype=jnp.float32)
    Wg = jax.random.normal(ks[1], (D, E), dtype=jnp.float32) * 0.02
    bg = jnp.zeros((E,), dtype=jnp.float32)
    W1 = jax.random.normal(ks[2], (E, D, D), dtype=jnp.float32) * 0.02
    b1 = jnp.zeros((E, D), dtype=jnp.float32)
    W2 = jax.random.normal(ks[3], (E, D, D), dtype=jnp.float32) * 0.02
    b2 = jnp.zeros((E, D), dtype=jnp.float32)
    W3 = jax.random.normal(ks[4], (E, D, D), dtype=jnp.float32) * 0.02
    b3 = jnp.zeros((E, D), dtype=jnp.float32)
    return {"x": x, "topn": K, "Wg": Wg, "bg": bg, "W1": W1, "b1": b1, "W2": W2, "b2": b2, "W3": W3, "b3": b3}

def reference(x, topn, Wg, bg, W1, b1, W2, b2, W3, b3):
    # GatingNetwork: softmax(Linear(x), dim=2)
    gating = jax.nn.softmax(jnp.einsum('btd,de->bte', x, Wg) + bg, axis=2)
    # topk over experts; build 0/1 mask via scatter (one_hot sum, indices are distinct)
    num_experts = gating.shape[-1]
    _vals, idx = jax.lax.top_k(gating, num_experts)
    rank_sel = (jnp.arange(num_experts) < topn).astype(gating.dtype)
    one = jax.nn.one_hot(idx, num_experts, dtype=gating.dtype)
    mask = jnp.sum(one * rank_sel[None, None, :, None], axis=2)
    gs = gating * mask
    # F.normalize(p=1, dim=2), eps=1e-12
    denom = jnp.maximum(jnp.sum(jnp.abs(gs), axis=2, keepdims=True), 1e-12)
    gs = gs / denom
    # Experts: Linear -> LeakyReLU(0.01) -> Linear -> LeakyReLU(0.01) -> Linear, all experts computed densely
    h = jax.nn.leaky_relu(jnp.einsum('btd,edh->bteh', x, W1) + b1[None, None, :, :], negative_slope=0.01)
    h = jax.nn.leaky_relu(jnp.einsum('bteh,ehf->btef', h, W2) + b2[None, None, :, :], negative_slope=0.01)
    eo = jnp.einsum('btef,efo->bteo', h, W3) + b3[None, None, :, :]
    # einsum('bte,bteo->bto'); squeeze(-1) is a no-op since output_dim=768 != 1
    out = jnp.einsum('bte,bteo->bto', gs, eo)
    return out

if __name__ == "__main__":
    import jax
    _d = setup_inputs()
    print(jax.jit(kernel)(*tuple(_d.values())))

</pallas_src>

<mosaic_0001>
#map = affine_map<(d0, d1) -> (0, 0)>
#map1 = affine_map<(d0, d1) -> (0)>
module attributes {stable_mosaic.version = 14 : i64} {
  func.func @sc_gather_4096(%arg0: i32, %arg1: i32, %arg2: memref<5120x768xf32, #tpu.memory_space<hbm>>, %arg3: memref<4096xi32, #tpu.memory_space<hbm>>, %arg4: memref<4096x768xf32, #tpu.memory_space<hbm>>, %arg5: memref<128xi32, #tpu.memory_space<vmem>>, %arg6: memref<64x768xf32, #tpu.memory_space<vmem>>, %arg7: memref<64x768xf32, #tpu.memory_space<vmem>>, %arg8: memref<!tpu.dma_semaphore, #tpu.memory_space<semaphore_mem>>, %arg9: memref<!tpu.dma_semaphore, #tpu.memory_space<semaphore_mem>>, %arg10: memref<!tpu.dma_semaphore, #tpu.memory_space<semaphore_mem>>, %arg11: memref<!tpu.dma_semaphore, #tpu.memory_space<semaphore_mem>>) attributes {dimension_semantics = [#tpu.dimension_semantics<core_parallel>, #tpu.dimension_semantics<subcore_parallel>], iteration_bounds = array<i64: 2, 16>, scalar_prefetch = 0 : i64, scratch_operands = 7 : i64, tpu.core_type = #tpu.core_type<sc_vector_subcore>, window_params = [{transform_indices = #map}, {transform_indices = #map1}, {transform_indices = #map}]} {
    %mul3A = arith.constant 2 : i32
    %mul3A_0 = arith.muli %arg1, %mul3A : i32
    %add3A = arith.addi %mul3A_0, %arg0 : i32
    %mul3A_1 = arith.constant 128 : i32
    %mul3A_2 = arith.muli %add3A, %mul3A_1 : i32
    "tpu.region"() ({
      %run_scoped3A = tpu.sem_alloc : memref<!tpu.dma_semaphore, #tpu.memory_space<semaphore_mem>>
      %dma_start3A_39 = tpu.memref_slice %arg3[%mul3A_2] : memref<4096xi32, #tpu.memory_space<hbm>> -> memref<128xi32, #tpu.memory_space<hbm>>
      %dma_start3A_40 = tpu.memref_slice %arg3[%mul3A_2] : memref<4096xi32, #tpu.memory_space<hbm>> -> memref<128xi32, #tpu.memory_space<hbm>>
      tpu.enqueue_dma source(%dma_start3A_40 : memref<128xi32, #tpu.memory_space<hbm>>) target(%arg5 : memref<128xi32, #tpu.memory_space<vmem>>) target_semaphore(%run_scoped3A : memref<!tpu.dma_semaphore, #tpu.memory_space<semaphore_mem>>)
      %dma_wait3A_41 = tpu.memref_slice %arg3[%mul3A_2] : memref<4096xi32, #tpu.memory_space<hbm>> -> memref<128xi32, #tpu.memory_space<hbm>>
      %dma_wait3A_42 = tpu.memref_slice %arg3[%mul3A_2] : memref<4096xi32, #tpu.memory_space<hbm>> -> memref<128xi32, #tpu.memory_space<hbm>>
      tpu.wait_dma2 semaphore(%run_scoped3A : memref<!tpu.dma_semaphore, #tpu.memory_space<semaphore_mem>>) src(%dma_wait3A_42 : memref<128xi32, #tpu.memory_space<hbm>>) dst(%arg5 : memref<128xi32, #tpu.memory_space<vmem>>)
      tpu.yield
    }) : () -> ()
    %dma_start3A = arith.constant 0 : i32
    %dma_start3A_3 = tpu.memref_slice %arg5[%dma_start3A] : memref<128xi32, #tpu.memory_space<vmem>> -> memref<64xi32, #tpu.memory_space<vmem>>
    %dma_start3A_4 = arith.constant 0 : i32
    %dma_start3A_5 = arith.constant 0 : i32
    %dma_start3A_6 = tpu.memref_slice %arg2[%dma_start3A_4, %dma_start3A_5] : memref<5120x768xf32, #tpu.memory_space<hbm>> -> memref<5120x768xf32, #tpu.memory_space<hbm>>
    tpu.enqueue_indirect_dma source(%dma_start3A_6 : memref<5120x768xf32, #tpu.memory_space<hbm>>) target(%arg6 : memref<64x768xf32, #tpu.memory_space<vmem>>) offsets(%dma_start3A_3 : memref<64xi32, #tpu.memory_space<vmem>>) semaphore(%arg8 : memref<!tpu.dma_semaphore, #tpu.memory_space<semaphore_mem>>)
    %dma_start3A_7 = arith.constant 64 : i32
    %dma_start3A_8 = tpu.memref_slice %arg5[%dma_start3A_7] : memref<128xi32, #tpu.memory_space<vmem>> -> memref<64xi32, #tpu.memory_space<vmem>>
    %dma_start3A_9 = arith.constant 0 : i32
    %dma_start3A_10 = arith.constant 0 : i32
    %dma_start3A_11 = tpu.memref_slice %arg2[%dma_start3A_9, %dma_start3A_10] : memref<5120x768xf32, #tpu.memory_space<hbm>> -> memref<5120x768xf32, #tpu.memory_space<hbm>>
    tpu.enqueue_indirect_dma source(%dma_start3A_11 : memref<5120x768xf32, #tpu.memory_space<hbm>>) target(%arg7 : memref<64x768xf32, #tpu.memory_space<vmem>>) offsets(%dma_start3A_8 : memref<64xi32, #tpu.memory_space<vmem>>) semaphore(%arg9 : memref<!tpu.dma_semaphore, #tpu.memory_space<semaphore_mem>>)
    %dma_wait3A = arith.constant 0 : i32
    %dma_wait3A_12 = tpu.memref_slice %arg5[%dma_wait3A] : memref<128xi32, #tpu.memory_space<vmem>> -> memref<64xi32, #tpu.memory_space<vmem>>
    %dma_wait3A_13 = arith.constant 0 : i32
    %dma_wait3A_14 = arith.constant 0 : i32
    %dma_wait3A_15 = tpu.memref_slice %arg2[%dma_wait3A_13, %dma_wait3A_14] : memref<5120x768xf32, #tpu.memory_space<hbm>> -> memref<5120x768xf32, #tpu.memory_space<hbm>>
    tpu.wait_indirect_dma semaphore(%arg8 : memref<!tpu.dma_semaphore, #tpu.memory_space<semaphore_mem>>) src(%dma_wait3A_15 : memref<5120x768xf32, #tpu.memory_space<hbm>>) dst(%arg6 : memref<64x768xf32, #tpu.memory_space<vmem>>)
    %dma_start3A_16 = arith.constant 0 : i32
    %dma_start3A_17 = tpu.memref_slice %arg4[%mul3A_2, %dma_start3A_16] : memref<4096x768xf32, #tpu.memory_space<hbm>> -> memref<64x768xf32, #tpu.memory_space<hbm>>
    %dma_start3A_18 = arith.constant 0 : i32
    %dma_start3A_19 = tpu.memref_slice %arg4[%mul3A_2, %dma_start3A_18] : memref<4096x768xf32, #tpu.memory_space<hbm>> -> memref<64x768xf32, #tpu.memory_space<hbm>>
    tpu.enqueue_dma source(%arg6 : memref<64x768xf32, #tpu.memory_space<vmem>>) target(%dma_start3A_19 : memref<64x768xf32, #tpu.memory_space<hbm>>) target_semaphore(%arg10 : memref<!tpu.dma_semaphore, #tpu.memory_space<semaphore_mem>>)
    %dma_wait3A_20 = arith.constant 64 : i32
    %dma_wait3A_21 = tpu.memref_slice %arg5[%dma_wait3A_20] : memref<128xi32, #tpu.memory_space<vmem>> -> memref<64xi32, #tpu.memory_space<vmem>>
    %dma_wait3A_22 = arith.constant 0 : i32
    %dma_wait3A_23 = arith.constant 0 : i32
    %dma_wait3A_24 = tpu.memref_slice %arg2[%dma_wait3A_22, %dma_wait3A_23] : memref<5120x768xf32, #tpu.memory_space<hbm>> -> memref<5120x768xf32, #tpu.memory_space<hbm>>
    tpu.wait_indirect_dma semaphore(%arg9 : memref<!tpu.dma_semaphore, #tpu.memory_space<semaphore_mem>>) src(%dma_wait3A_24 : memref<5120x768xf32, #tpu.memory_space<hbm>>) dst(%arg7 : memref<64x768xf32, #tpu.memory_space<vmem>>)
    %add3A_25 = arith.constant 64 : i32
    %add3A_26 = arith.addi %mul3A_2, %add3A_25 : i32
    %dma_start3A_27 = arith.constant 0 : i32
    %dma_start3A_28 = tpu.memref_slice %arg4[%add3A_26, %dma_start3A_27] : memref<4096x768xf32, #tpu.memory_space<hbm>> -> memref<64x768xf32, #tpu.memory_space<hbm>>
    %dma_start3A_29 = arith.constant 0 : i32
    %dma_start3A_30 = tpu.memref_slice %arg4[%add3A_26, %dma_start3A_29] : memref<4096x768xf32, #tpu.memory_space<hbm>> -> memref<64x768xf32, #tpu.memory_space<hbm>>
    tpu.enqueue_dma source(%arg7 : memref<64x768xf32, #tpu.memory_space<vmem>>) target(%dma_start3A_30 : memref<64x768xf32, #tpu.memory_space<hbm>>) target_semaphore(%arg11 : memref<!tpu.dma_semaphore, #tpu.memory_space<semaphore_mem>>)
    %dma_wait3A_31 = arith.constant 0 : i32
    %dma_wait3A_32 = tpu.memref_slice %arg4[%mul3A_2, %dma_wait3A_31] : memref<4096x768xf32, #tpu.memory_space<hbm>> -> memref<64x768xf32, #tpu.memory_space<hbm>>
    %dma_wait3A_33 = arith.constant 0 : i32
    %dma_wait3A_34 = tpu.memref_slice %arg4[%mul3A_2, %dma_wait3A_33] : memref<4096x768xf32, #tpu.memory_space<hbm>> -> memref<64x768xf32, #tpu.memory_space<hbm>>
    tpu.wait_dma2 semaphore(%arg10 : memref<!tpu.dma_semaphore, #tpu.memory_space<semaphore_mem>>) src(%arg6 : memref<64x768xf32, #tpu.memory_space<vmem>>) dst(%dma_wait3A_34 : memref<64x768xf32, #tpu.memory_space<hbm>>)
    %dma_wait3A_35 = arith.constant 0 : i32
    %dma_wait3A_36 = tpu.memref_slice %arg4[%add3A_26, %dma_wait3A_35] : memref<4096x768xf32, #tpu.memory_space<hbm>> -> memref<64x768xf32, #tpu.memory_space<hbm>>
    %dma_wait3A_37 = arith.constant 0 : i32
    %dma_wait3A_38 = tpu.memref_slice %arg4[%add3A_26, %dma_wait3A_37] : memref<4096x768xf32, #tpu.memory_space<hbm>> -> memref<64x768xf32, #tpu.memory_space<hbm>>
    tpu.wait_dma2 semaphore(%arg11 : memref<!tpu.dma_semaphore, #tpu.memory_space<semaphore_mem>>) src(%arg7 : memref<64x768xf32, #tpu.memory_space<vmem>>) dst(%dma_wait3A_38 : memref<64x768xf32, #tpu.memory_space<hbm>>)
    return
  }
}

#map = affine_map<(d0, d1) -> (0, 0)>
#map1 = affine_map<(d0, d1) -> (0)>
module attributes {stable_mosaic.version = 14 : i64} {
  func.func @sc_scatter_xs(%arg0: i32, %arg1: i32, %arg2: memref<2048x768xf32, #tpu.memory_space<hbm>>, %arg3: memref<4096xi32, #tpu.memory_space<hbm>>, %arg4: memref<5120x768xf32, #tpu.memory_space<hbm>>, %arg5: memref<64x768xf32, #tpu.memory_space<vmem>>, %arg6: memref<64xi32, #tpu.memory_space<vmem>>, %arg7: memref<64xi32, #tpu.memory_space<vmem>>, %arg8: memref<!tpu.dma_semaphore, #tpu.memory_space<semaphore_mem>>, %arg9: memref<!tpu.dma_semaphore, #tpu.memory_space<semaphore_mem>>) attributes {dimension_semantics = [#tpu.dimension_semantics<core_parallel>, #tpu.dimension_semantics<subcore_parallel>], iteration_bounds = array<i64: 2, 16>, scalar_prefetch = 0 : i64, scratch_operands = 5 : i64, tpu.core_type = #tpu.core_type<sc_vector_subcore>, window_params = [{transform_indices = #map}, {transform_indices = #map1}, {transform_indices = #map}]} {
    %mul3A = arith.constant 2 : i32
    %mul3A_0 = arith.muli %arg1, %mul3A : i32
    %add3A = arith.addi %mul3A_0, %arg0 : i32
    %mul3A_1 = arith.constant 64 : i32
    %mul3A_2 = arith.muli %add3A, %mul3A_1 : i32
    "tpu.region"() ({
      %run_scoped3A = tpu.sem_alloc : memref<!tpu.dma_semaphore, #tpu.memory_space<semaphore_mem>>
      %dma_start3A_15 = arith.constant 0 : i32
      %dma_start3A_16 = tpu.memref_slice %arg2[%mul3A_2, %dma_start3A_15] : memref<2048x768xf32, #tpu.memory_space<hbm>> -> memref<64x768xf32, #tpu.memory_space<hbm>>
      %dma_start3A_17 = arith.constant 0 : i32
      %dma_start3A_18 = tpu.memref_slice %arg2[%mul3A_2, %dma_start3A_17] : memref<2048x768xf32, #tpu.memory_space<hbm>> -> memref<64x768xf32, #tpu.memory_space<hbm>>
      tpu.enqueue_dma source(%dma_start3A_18 : memref<64x768xf32, #tpu.memory_space<hbm>>) target(%arg5 : memref<64x768xf32, #tpu.memory_space<vmem>>) target_semaphore(%run_scoped3A : memref<!tpu.dma_semaphore, #tpu.memory_space<semaphore_mem>>)
      %dma_wait3A_19 = arith.constant 0 : i32
      %dma_wait3A_20 = tpu.memref_slice %arg2[%mul3A_2, %dma_wait3A_19] : memref<2048x768xf32, #tpu.memory_space<hbm>> -> memref<64x768xf32, #tpu.memory_space<hbm>>
      %dma_wait3A_21 = arith.constant 0 : i32
      %dma_wait3A_22 = tpu.memref_slice %arg2[%mul3A_2, %dma_wait3A_21] : memref<2048x768xf32, #tpu.memory_space<hbm>> -> memref<64x768xf32, #tpu.memory_space<hbm>>
      tpu.wait_dma2 semaphore(%run_scoped3A : memref<!tpu.dma_semaphore, #tpu.memory_space<semaphore_mem>>) src(%dma_wait3A_22 : memref<64x768xf32, #tpu.memory_space<hbm>>) dst(%arg5 : memref<64x768xf32, #tpu.memory_space<vmem>>)
      tpu.yield
    }) : () -> ()
    "tpu.region"() ({
      %run_scoped3A = tpu.sem_alloc : memref<!tpu.dma_semaphore, #tpu.memory_space<semaphore_mem>>
      %dma_start3A_15 = tpu.memref_slice %arg3[%mul3A_2] : memref<4096xi32, #tpu.memory_space<hbm>> -> memref<64xi32, #tpu.memory_space<hbm>>
      %dma_start3A_16 = tpu.memref_slice %arg3[%mul3A_2] : memref<4096xi32, #tpu.memory_space<hbm>> -> memref<64xi32, #tpu.memory_space<hbm>>
      tpu.enqueue_dma source(%dma_start3A_16 : memref<64xi32, #tpu.memory_space<hbm>>) target(%arg6 : memref<64xi32, #tpu.memory_space<vmem>>) target_semaphore(%run_scoped3A : memref<!tpu.dma_semaphore, #tpu.memory_space<semaphore_mem>>)
      %dma_wait3A_17 = tpu.memref_slice %arg3[%mul3A_2] : memref<4096xi32, #tpu.memory_space<hbm>> -> memref<64xi32, #tpu.memory_space<hbm>>
      %dma_wait3A_18 = tpu.memref_slice %arg3[%mul3A_2] : memref<4096xi32, #tpu.memory_space<hbm>> -> memref<64xi32, #tpu.memory_space<hbm>>
      tpu.wait_dma2 semaphore(%run_scoped3A : memref<!tpu.dma_semaphore, #tpu.memory_space<semaphore_mem>>) src(%dma_wait3A_18 : memref<64xi32, #tpu.memory_space<hbm>>) dst(%arg6 : memref<64xi32, #tpu.memory_space<vmem>>)
      tpu.yield
    }) : () -> ()
    %add3A_3 = arith.constant 2048 : i32
    %add3A_4 = arith.addi %add3A_3, %mul3A_2 : i32
    "tpu.region"() ({
      %run_scoped3A = tpu.sem_alloc : memref<!tpu.dma_semaphore, #tpu.memory_space<semaphore_mem>>
      %dma_start3A_15 = tpu.memref_slice %arg3[%add3A_4] : memref<4096xi32, #tpu.memory_space<hbm>> -> memref<64xi32, #tpu.memory_space<hbm>>
      %dma_start3A_16 = tpu.memref_slice %arg3[%add3A_4] : memref<4096xi32, #tpu.memory_space<hbm>> -> memref<64xi32, #tpu.memory_space<hbm>>
      tpu.enqueue_dma source(%dma_start3A_16 : memref<64xi32, #tpu.memory_space<hbm>>) target(%arg7 : memref<64xi32, #tpu.memory_space<vmem>>) target_semaphore(%run_scoped3A : memref<!tpu.dma_semaphore, #tpu.memory_space<semaphore_mem>>)
      %dma_wait3A_17 = tpu.memref_slice %arg3[%add3A_4] : memref<4096xi32, #tpu.memory_space<hbm>> -> memref<64xi32, #tpu.memory_space<hbm>>
      %dma_wait3A_18 = tpu.memref_slice %arg3[%add3A_4] : memref<4096xi32, #tpu.memory_space<hbm>> -> memref<64xi32, #tpu.memory_space<hbm>>
      tpu.wait_dma2 semaphore(%run_scoped3A : memref<!tpu.dma_semaphore, #tpu.memory_space<semaphore_mem>>) src(%dma_wait3A_18 : memref<64xi32, #tpu.memory_space<hbm>>) dst(%arg7 : memref<64xi32, #tpu.memory_space<vmem>>)
      tpu.yield
    }) : () -> ()
    %dma_start3A = arith.constant 0 : i32
    %dma_start3A_5 = arith.constant 0 : i32
    %dma_start3A_6 = tpu.memref_slice %arg4[%dma_start3A, %dma_start3A_5] : memref<5120x768xf32, #tpu.memory_space<hbm>> -> memref<5120x768xf32, #tpu.memory_space<hbm>>
    tpu.enqueue_indirect_dma source(%arg5 : memref<64x768xf32, #tpu.memory_space<vmem>>) target(%dma_start3A_6 : memref<5120x768xf32, #tpu.memory_space<hbm>>) offsets(%arg6 : memref<64xi32, #tpu.memory_space<vmem>>) semaphore(%arg8 : memref<!tpu.dma_semaphore, #tpu.memory_space<semaphore_mem>>)
    %dma_start3A_7 = arith.constant 0 : i32
    %dma_start3A_8 = arith.constant 0 : i32
    %dma_start3A_9 = tpu.memref_slice %arg4[%dma_start3A_7, %dma_start3A_8] : memref<5120x768xf32, #tpu.memory_space<hbm>> -> memref<5120x768xf32, #tpu.memory_space<hbm>>
    tpu.enqueue_indirect_dma source(%arg5 : memref<64x768xf32, #tpu.memory_space<vmem>>) target(%dma_start3A_9 : memref<5120x768xf32, #tpu.memory_space<hbm>>) offsets(%arg7 : memref<64xi32, #tpu.memory_space<vmem>>) semaphore(%arg9 : memref<!tpu.dma_semaphore, #tpu.memory_space<semaphore_mem>>)
    %dma_wait3A = arith.constant 0 : i32
    %dma_wait3A_10 = arith.constant 0 : i32
    %dma_wait3A_11 = tpu.memref_slice %arg4[%dma_wait3A, %dma_wait3A_10] : memref<5120x768xf32, #tpu.memory_space<hbm>> -> memref<5120x768xf32, #tpu.memory_space<hbm>>
    tpu.wait_indirect_dma semaphore(%arg8 : memref<!tpu.dma_semaphore, #tpu.memory_space<semaphore_mem>>) src(%arg5 : memref<64x768xf32, #tpu.memory_space<vmem>>) dst(%dma_wait3A_11 : memref<5120x768xf32, #tpu.memory_space<hbm>>)
    %dma_wait3A_12 = arith.constant 0 : i32
    %dma_wait3A_13 = arith.constant 0 : i32
    %dma_wait3A_14 = tpu.memref_slice %arg4[%dma_wait3A_12, %dma_wait3A_13] : memref<5120x768xf32, #tpu.memory_space<hbm>> -> memref<5120x768xf32, #tpu.memory_space<hbm>>
    tpu.wait_indirect_dma semaphore(%arg9 : memref<!tpu.dma_semaphore, #tpu.memory_space<semaphore_mem>>) src(%arg5 : memref<64x768xf32, #tpu.memory_space<vmem>>) dst(%dma_wait3A_14 : memref<5120x768xf32, #tpu.memory_space<hbm>>)
    return
  }
}

module attributes {stable_mosaic.version = 14 : i64} {
  func.func @_route_body(%arg0: memref<2048x768xf32, #tpu.memory_space<vmem>>, %arg1: memref<768x8xf32, #tpu.memory_space<vmem>>, %arg2: memref<1x8xf32, #tpu.memory_space<vmem>>, %arg3: memref<8x2048xi32, #tpu.memory_space<vmem>>, %arg4: memref<2048x8xf32, #tpu.memory_space<vmem>>, %arg5: memref<8x40xi32, #tpu.memory_space<vmem>>) attributes {dimension_semantics = [], scalar_prefetch = 0 : i64, scratch_operands = 0 : i64, tpu.core_type = #tpu.core_type<tc>} {
    %get3A = arith.constant 0 : index
    %get3A_0 = arith.constant 0 : index
    %get3A_1 = vector.load %arg0[%get3A, %get3A_0] : memref<2048x768xf32, #tpu.memory_space<vmem>>, vector<2048x768xf32>
    %get3A_2 = arith.constant 0 : index
    %get3A_3 = arith.constant 0 : index
    %get3A_4 = vector.load %arg1[%get3A_2, %get3A_3] : memref<768x8xf32, #tpu.memory_space<vmem>>, vector<768x8xf32>
    %dot_general3A = arith.constant dense<0.000000e+00> : vector<2048x8xf32>
    %dot_general3A_5 = tpu.matmul %get3A_1, %get3A_4, %dot_general3A {dimension_numbers = #tpu.dot_dimension_numbers<[1], [0], [0], [1], [0, 0, 1, 1], [], []>, transpose_lhs_hint = false} : vector<2048x768xf32>, vector<768x8xf32>, vector<2048x8xf32> -> vector<2048x8xf32>
    %get3A_6 = arith.constant 0 : index
    %get3A_7 = arith.constant 0 : index
    %get3A_8 = vector.load %arg2[%get3A_6, %get3A_7] : memref<1x8xf32, #tpu.memory_space<vmem>>, vector<1x8xf32>
    %get3A_9 = vector.shape_cast %get3A_8 : vector<1x8xf32> to vector<8xf32>
    %broadcast_in_dim3A = vector.shape_cast %get3A_9 : vector<8xf32> to vector<1x8xf32>
    %add3A = vector.broadcast %broadcast_in_dim3A : vector<1x8xf32> to vector<2048x8xf32>
    %add3A_10 = arith.addf %dot_general3A_5, %add3A : vector<2048x8xf32>
    %reduce_max3A = arith.constant dense<0xFF800000> : vector<2048xf32>
    %reduce_max3A_11 = vector.multi_reduction <maximumf>, %add3A_10, %reduce_max3A [1] : vector<2048x8xf32> to vector<2048xf32>
    %broadcast_in_dim3A_12 = vector.shape_cast %reduce_max3A_11 : vector<2048xf32> to vector<2048x1xf32>
    %sub3A = vector.broadcast %broadcast_in_dim3A_12 : vector<2048x1xf32> to vector<2048x8xf32>
    %sub3A_13 = arith.subf %add3A_10, %sub3A : vector<2048x8xf32>
    %exp3A = math.exp %sub3A_13 : vector<2048x8xf32>
    %reduce_sum3A = arith.constant dense<0.000000e+00> : vector<2048xf32>
    %reduce_sum3A_14 = vector.multi_reduction <add>, %exp3A, %reduce_sum3A [1] : vector<2048x8xf32> to vector<2048xf32>
    %broadcast_in_dim3A_15 = vector.shape_cast %reduce_sum3A_14 : vector<2048xf32> to vector<2048x1xf32>
    %div3A = vector.broadcast %broadcast_in_dim3A_15 : vector<2048x1xf32> to vector<2048x8xf32>
    %div3A_16 = arith.divf %exp3A, %div3A : vector<2048x8xf32>
    %iota3A = tpu.iota {dimensions = array<i32: 1>} : vector<2048x8xi32>
    %reduce_max3A_17 = arith.constant dense<0xFF800000> : vector<2048xf32>
    %reduce_max3A_18 = vector.multi_reduction <maximumf>, %div3A_16, %reduce_max3A_17 [1] : vector<2048x8xf32> to vector<2048xf32>
    %broadcast_in_dim3A_19 = vector.shape_cast %reduce_max3A_18 : vector<2048xf32> to vector<2048x1xf32>
    %eq3A = vector.broadcast %broadcast_in_dim3A_19 : vector<2048x1xf32> to vector<2048x8xf32>
    %eq3A_20 = arith.cmpf oeq, %div3A_16, %eq3A : vector<2048x8xf32>
    %jit3A = arith.constant 8 : i32
    %broadcast_in_dim3A_21 = vector.broadcast %jit3A : i32 to vector<2048x8xi32>
    %select_n3A = arith.select %eq3A_20, %iota3A, %broadcast_in_dim3A_21 : vector<2048x8xi1>, vector<2048x8xi32>
    %reduce_min3A = arith.constant dense<2147483647> : vector<2048xi32>
    %reduce_min3A_22 = vector.multi_reduction <minsi>, %select_n3A, %reduce_min3A [1] : vector<2048x8xi32> to vector<2048xi32>
    %broadcast_in_dim3A_23 = vector.shape_cast %reduce_min3A_22 : vector<2048xi32> to vector<2048x1xi32>
    %eq3A_24 = vector.broadcast %broadcast_in_dim3A_23 : vector<2048x1xi32> to vector<2048x8xi32>
    %eq3A_25 = arith.cmpi eq, %iota3A, %eq3A_24 : vector<2048x8xi32>
    %jit3A_26 = arith.constant -1.000000e+30 : f32
    %broadcast_in_dim3A_27 = vector.broadcast %jit3A_26 : f32 to vector<2048x8xf32>
    %select_n3A_28 = arith.select %eq3A_25, %broadcast_in_dim3A_27, %div3A_16 : vector<2048x8xi1>, vector<2048x8xf32>
    %reduce_max3A_29 = arith.constant dense<0xFF800000> : vector<2048xf32>
    %reduce_max3A_30 = vector.multi_reduction <maximumf>, %select_n3A_28, %reduce_max3A_29 [1] : vector<2048x8xf32> to vector<2048xf32>
    %broadcast_in_dim3A_31 = vector.shape_cast %reduce_max3A_30 : vector<2048xf32> to vector<2048x1xf32>
    %eq3A_32 = vector.broadcast %broadcast_in_dim3A_31 : vector<2048x1xf32> to vector<2048x8xf32>
    %eq3A_33 = arith.cmpf oeq, %select_n3A_28, %eq3A_32 : vector<2048x8xf32>
    %jit3A_34 = arith.constant 8 : i32
    %broadcast_in_dim3A_35 = vector.broadcast %jit3A_34 : i32 to vector<2048x8xi32>
    %select_n3A_36 = arith.select %eq3A_33, %iota3A, %broadcast_in_dim3A_35 : vector<2048x8xi1>, vector<2048x8xi32>
    %reduce_min3A_37 = arith.constant dense<2147483647> : vector<2048xi32>
    %reduce_min3A_38 = vector.multi_reduction <minsi>, %select_n3A_36, %reduce_min3A_37 [1] : vector<2048x8xi32> to vector<2048xi32>
    %broadcast_in_dim3A_39 = vector.shape_cast %reduce_min3A_38 : vector<2048xi32> to vector<2048x1xi32>
    %add3A_40 = arith.addf %broadcast_in_dim3A_19, %broadcast_in_dim3A_31 : vector<2048x1xf32>
    %max3A = arith.constant 9.99999996E-13 : f32
    %max3A_41 = vector.broadcast %max3A : f32 to vector<2048x1xf32>
    %max3A_42 = arith.maximumf %add3A_40, %max3A_41 : vector<2048x1xf32>
    %div3A_43 = arith.divf %broadcast_in_dim3A_19, %max3A_42 : vector<2048x1xf32>
    %div3A_44 = arith.divf %broadcast_in_dim3A_31, %max3A_42 : vector<2048x1xf32>
    %eq3A_45 = vector.broadcast %broadcast_in_dim3A_23 : vector<2048x1xi32> to vector<2048x8xi32>
    %eq3A_46 = arith.cmpi eq, %iota3A, %eq3A_45 : vector<2048x8xi32>
    %eq3A_47 = vector.broadcast %broadcast_in_dim3A_39 : vector<2048x1xi32> to vector<2048x8xi32>
    %eq3A_48 = arith.cmpi eq, %iota3A, %eq3A_47 : vector<2048x8xi32>
    %or3A = arith.ori %eq3A_46, %eq3A_48 : vector<2048x8xi1>
    %convert_element_type3A = arith.extui %or3A : vector<2048x8xi1> to vector<2048x8xi32>
    %convert_element_type3A_49 = arith.sitofp %convert_element_type3A : vector<2048x8xi32> to vector<2048x8xf32>
    %broadcast_in_dim3A_50 = arith.constant 0.000000e+00 : f32
    %broadcast_in_dim3A_51 = vector.broadcast %broadcast_in_dim3A_50 : f32 to vector<1x8xf32>
    %slice3A = vector.extract_strided_slice %convert_element_type3A_49 {offsets = [0, 0], sizes = [2047, 8], strides = [1, 1]} : vector<2048x8xf32> to vector<2047x8xf32>
    %concatenate3A = tpu.concatenate %broadcast_in_dim3A_51, %slice3A in 0 : vector<1x8xf32>, vector<2047x8xf32> -> vector<2048x8xf32>
    %add3A_52 = arith.addf %convert_element_type3A_49, %concatenate3A : vector<2048x8xf32>
    %broadcast_in_dim3A_53 = arith.constant 0.000000e+00 : f32
    %broadcast_in_dim3A_54 = vector.broadcast %broadcast_in_dim3A_53 : f32 to vector<2x8xf32>
    %slice3A_55 = vector.extract_strided_slice %add3A_52 {offsets = [0, 0], sizes = [2046, 8], strides = [1, 1]} : vector<2048x8xf32> to vector<2046x8xf32>
    %concatenate3A_56 = tpu.concatenate %broadcast_in_dim3A_54, %slice3A_55 in 0 : vector<2x8xf32>, vector<2046x8xf32> -> vector<2048x8xf32>
    %add3A_57 = arith.addf %add3A_52, %concatenate3A_56 : vector<2048x8xf32>
    %broadcast_in_dim3A_58 = arith.constant 0.000000e+00 : f32
    %broadcast_in_dim3A_59 = vector.broadcast %broadcast_in_dim3A_58 : f32 to vector<4x8xf32>
    %slice3A_60 = vector.extract_strided_slice %add3A_57 {offsets = [0, 0], sizes = [2044, 8], strides = [1, 1]} : vector<2048x8xf32> to vector<2044x8xf32>
    %concatenate3A_61 = tpu.concatenate %broadcast_in_dim3A_59, %slice3A_60 in 0 : vector<4x8xf32>, vector<2044x8xf32> -> vector<2048x8xf32>
    %add3A_62 = arith.addf %add3A_57, %concatenate3A_61 : vector<2048x8xf32>
    %broadcast_in_dim3A_63 = arith.constant 0.000000e+00 : f32
    %broadcast_in_dim3A_64 = vector.broadcast %broadcast_in_dim3A_63 : f32 to vector<8x8xf32>
    %slice3A_65 = vector.extract_strided_slice %add3A_62 {offsets = [0, 0], sizes = [2040, 8], strides = [1, 1]} : vector<2048x8xf32> to vector<2040x8xf32>
    %concatenate3A_66 = tpu.concatenate %broadcast_in_dim3A_64, %slice3A_65 in 0 : vector<8x8xf32>, vector<2040x8xf32> -> vector<2048x8xf32>
    %add3A_67 = arith.addf %add3A_62, %concatenate3A_66 : vector<2048x8xf32>
    %broadcast_in_dim3A_68 = arith.constant 0.000000e+00 : f32
    %broadcast_in_dim3A_69 = vector.broadcast %broadcast_in_dim3A_68 : f32 to vector<16x8xf32>
    %slice3A_70 = vector.extract_strided_slice %add3A_67 {offsets = [0, 0], sizes = [2032, 8], strides = [1, 1]} : vector<2048x8xf32> to vector<2032x8xf32>
    %concatenate3A_71 = tpu.concatenate %broadcast_in_dim3A_69, %slice3A_70 in 0 : vector<16x8xf32>, vector<2032x8xf32> -> vector<2048x8xf32>
    %add3A_72 = arith.addf %add3A_67, %concatenate3A_71 : vector<2048x8xf32>
    %broadcast_in_dim3A_73 = arith.constant 0.000000e+00 : f32
    %broadcast_in_dim3A_74 = vector.broadcast %broadcast_in_dim3A_73 : f32 to vector<32x8xf32>
    %slice3A_75 = vector.extract_strided_slice %add3A_72 {offsets = [0, 0], sizes = [2016, 8], strides = [1, 1]} : vector<2048x8xf32> to vector<2016x8xf32>
    %concatenate3A_76 = tpu.concatenate %broadcast_in_dim3A_74, %slice3A_75 in 0 : vector<32x8xf32>, vector<2016x8xf32> -> vector<2048x8xf32>
    %add3A_77 = arith.addf %add3A_72, %concatenate3A_76 : vector<2048x8xf32>
    %broadcast_in_dim3A_78 = arith.constant 0.000000e+00 : f32
    %broadcast_in_dim3A_79 = vector.broadcast %broadcast_in_dim3A_78 : f32 to vector<64x8xf32>
    %slice3A_80 = vector.extract_strided_slice %add3A_77 {offsets = [0, 0], sizes = [1984, 8], strides = [1, 1]} : vector<2048x8xf32> to vector<1984x8xf32>
    %concatenate3A_81 = tpu.concatenate %broadcast_in_dim3A_79, %slice3A_80 in 0 : vector<64x8xf32>, vector<1984x8xf32> -> vector<2048x8xf32>
    %add3A_82 = arith.addf %add3A_77, %concatenate3A_81 : vector<2048x8xf32>
    %broadcast_in_dim3A_83 = arith.constant 0.000000e+00 : f32
    %broadcast_in_dim3A_84 = vector.broadcast %broadcast_in_dim3A_83 : f32 to vector<128x8xf32>
    %slice3A_85 = vector.extract_strided_slice %add3A_82 {offsets = [0, 0], sizes = [1920, 8], strides = [1, 1]} : vector<2048x8xf32> to vector<1920x8xf32>
    %concatenate3A_86 = tpu.concatenate %broadcast_in_dim3A_84, %slice3A_85 in 0 : vector<128x8xf32>, vector<1920x8xf32> -> vector<2048x8xf32>
    %add3A_87 = arith.addf %add3A_82, %concatenate3A_86 : vector<2048x8xf32>
    %broadcast_in_dim3A_88 = arith.constant 0.000000e+00 : f32
    %broadcast_in_dim3A_89 = vector.broadcast %broadcast_in_dim3A_88 : f32 to vector<256x8xf32>
    %slice3A_90 = vector.extract_strided_slice %add3A_87 {offsets = [0, 0], sizes = [1792, 8], strides = [1, 1]} : vector<2048x8xf32> to vector<1792x8xf32>
    %concatenate3A_91 = tpu.concatenate %broadcast_in_dim3A_89, %slice3A_90 in 0 : vector<256x8xf32>, vector<1792x8xf32> -> vector<2048x8xf32>
    %add3A_92 = arith.addf %add3A_87, %concatenate3A_91 : vector<2048x8xf32>
    %broadcast_in_dim3A_93 = arith.constant 0.000000e+00 : f32
    %broadcast_in_dim3A_94 = vector.broadcast %broadcast_in_dim3A_93 : f32 to vector<512x8xf32>
    %slice3A_95 = vector.extract_strided_slice %add3A_92 {offsets = [0, 0], sizes = [1536, 8], strides = [1, 1]} : vector<2048x8xf32> to vector<1536x8xf32>
    %concatenate3A_96 = tpu.concatenate %broadcast_in_dim3A_94, %slice3A_95 in 0 : vector<512x8xf32>, vector<1536x8xf32> -> vector<2048x8xf32>
    %add3A_97 = arith.addf %add3A_92, %concatenate3A_96 : vector<2048x8xf32>
    %broadcast_in_dim3A_98 = arith.constant 0.000000e+00 : f32
    %broadcast_in_dim3A_99 = vector.broadcast %broadcast_in_dim3A_98 : f32 to vector<1024x8xf32>
    %slice3A_100 = vector.extract_strided_slice %add3A_97 {offsets = [0, 0], sizes = [1024, 8], strides = [1, 1]} : vector<2048x8xf32> to vector<1024x8xf32>
    %concatenate3A_101 = tpu.concatenate %broadcast_in_dim3A_99, %slice3A_100 in 0 : vector<1024x8xf32>, vector<1024x8xf32> -> vector<2048x8xf32>
    %add3A_102 = arith.addf %add3A_97, %concatenate3A_101 : vector<2048x8xf32>
    %sub3A_103 = arith.subf %add3A_102, %convert_element_type3A_49 : vector<2048x8xf32>
    %slice3A_104 = vector.extract_strided_slice %add3A_102 {offsets = [2047, 0], sizes = [1, 8], strides = [1, 1]} : vector<2048x8xf32> to vector<1x8xf32>
    %convert_element_type3A_105 = arith.fptosi %slice3A_104 : vector<1x8xf32> to vector<1x8xi32>
    %add3A_106 = arith.constant 127 : i32
    %add3A_107 = vector.broadcast %add3A_106 : i32 to vector<1x8xi32>
    %add3A_108 = arith.addi %convert_element_type3A_105, %add3A_107 : vector<1x8xi32>
    %jit3A_109 = arith.constant 128 : i32
    %div3A_110 = vector.broadcast %jit3A_109 : i32 to vector<1x8xi32>
    %div3A_111 = arith.divsi %add3A_108, %div3A_110 : vector<1x8xi32>
    %sign3A = arith.constant 0 : i32
    %sign3A_112 = vector.broadcast %sign3A : i32 to vector<1x8xi32>
    %sign3A_113 = arith.cmpi sgt, %add3A_108, %sign3A_112 : vector<1x8xi32>
    %sign3A_114 = arith.extui %sign3A_113 : vector<1x8xi1> to vector<1x8xi32>
    %sign3A_115 = arith.constant 0 : i32
    %sign3A_116 = vector.broadcast %sign3A_115 : i32 to vector<1x8xi32>
    %sign3A_117 = arith.cmpi slt, %add3A_108, %sign3A_116 : vector<1x8xi32>
    %sign3A_118 = arith.extui %sign3A_117 : vector<1x8xi1> to vector<1x8xi32>
    %sign3A_119 = arith.subi %sign3A_114, %sign3A_118 : vector<1x8xi32>
    %sign3A_120 = arith.constant 0 : i32
    %sign3A_121 = arith.cmpi sgt, %jit3A_109, %sign3A_120 : i32
    %sign3A_122 = arith.extui %sign3A_121 : i1 to i32
    %sign3A_123 = arith.constant 0 : i32
    %sign3A_124 = arith.cmpi slt, %jit3A_109, %sign3A_123 : i32
    %sign3A_125 = arith.extui %sign3A_124 : i1 to i32
    %sign3A_126 = arith.subi %sign3A_122, %sign3A_125 : i32
    %ne3A = vector.broadcast %sign3A_126 : i32 to vector<1x8xi32>
    %ne3A_127 = arith.cmpi ne, %sign3A_119, %ne3A : vector<1x8xi32>
    %rem3A = vector.broadcast %jit3A_109 : i32 to vector<1x8xi32>
    %rem3A_128 = arith.remsi %add3A_108, %rem3A : vector<1x8xi32>
    %ne3A_129 = arith.constant 0 : i32
    %ne3A_130 = vector.broadcast %ne3A_129 : i32 to vector<1x8xi32>
    %ne3A_131 = arith.cmpi ne, %rem3A_128, %ne3A_130 : vector<1x8xi32>
    %and3A = arith.andi %ne3A_127, %ne3A_131 : vector<1x8xi1>
    %sub3A_132 = arith.constant 1 : i32
    %sub3A_133 = vector.broadcast %sub3A_132 : i32 to vector<1x8xi32>
    %sub3A_134 = arith.subi %div3A_111, %sub3A_133 : vector<1x8xi32>
    %select_n3A_135 = arith.select %and3A, %sub3A_134, %div3A_111 : vector<1x8xi1>, vector<1x8xi32>
    %mul3A = arith.constant 128 : i32
    %mul3A_136 = vector.broadcast %mul3A : i32 to vector<1x8xi32>
    %mul3A_137 = arith.muli %select_n3A_135, %mul3A_136 : vector<1x8xi32>
    %convert_element_type3A_138 = arith.sitofp %mul3A_137 : vector<1x8xi32> to vector<1x8xf32>
    %iota3A_139 = tpu.iota {dimensions = array<i32: 0>} : vector<8x8xi32>
    %iota3A_140 = tpu.iota {dimensions = array<i32: 1>} : vector<8x8xi32>
    %lt3A = arith.cmpi slt, %iota3A_139, %iota3A_140 : vector<8x8xi32>
    %convert_element_type3A_141 = arith.extui %lt3A : vector<8x8xi1> to vector<8x8xi32>
    %convert_element_type3A_142 = arith.sitofp %convert_element_type3A_141 : vector<8x8xi32> to vector<8x8xf32>
    %dot_general3A_143 = arith.constant dense<0.000000e+00> : vector<1x8xf32>
    %dot_general3A_144 = tpu.matmul %convert_element_type3A_138, %convert_element_type3A_142, %dot_general3A_143 {dimension_numbers = #tpu.dot_dimension_numbers<[1], [0], [0], [1], [0, 0, 1, 1], [], []>, transpose_lhs_hint = false} : vector<1x8xf32>, vector<8x8xf32>, vector<1x8xf32> -> vector<1x8xf32>
    %reduce_sum3A_145 = vector.shape_cast %convert_element_type3A_138 : vector<1x8xf32> to vector<1x1x8xf32>
    %reduce_sum3A_146 = arith.constant dense<0.000000e+00> : vector<1xf32>
    %reduce_sum3A_147 = vector.multi_reduction <add>, %reduce_sum3A_145, %reduce_sum3A_146 [1, 2] : vector<1x1x8xf32> to vector<1xf32>
    %reduce_sum3A_148 = vector.shape_cast %reduce_sum3A_147 : vector<1xf32> to vector<1x1x1xf32>
    %reduce_sum3A_149 = vector.extract %reduce_sum3A_148[0, 0, 0] : f32 from vector<1x1x1xf32>
    %add3A_150 = vector.broadcast %dot_general3A_144 : vector<1x8xf32> to vector<2048x8xf32>
    %add3A_151 = arith.addf %add3A_150, %sub3A_103 : vector<2048x8xf32>
    %eq3A_152 = vector.broadcast %broadcast_in_dim3A_23 : vector<2048x1xi32> to vector<2048x8xi32>
    %eq3A_153 = arith.cmpi eq, %iota3A, %eq3A_152 : vector<2048x8xi32>
    %jit3A_154 = arith.constant 0.000000e+00 : f32
    %broadcast_in_dim3A_155 = vector.broadcast %jit3A_154 : f32 to vector<2048x8xf32>
    %select_n3A_156 = arith.select %eq3A_153, %add3A_151, %broadcast_in_dim3A_155 : vector<2048x8xi1>, vector<2048x8xf32>
    %reduce_sum3A_157 = arith.constant dense<0.000000e+00> : vector<2048xf32>
    %reduce_sum3A_158 = vector.multi_reduction <add>, %select_n3A_156, %reduce_sum3A_157 [1] : vector<2048x8xf32> to vector<2048xf32>
    %eq3A_159 = vector.broadcast %broadcast_in_dim3A_39 : vector<2048x1xi32> to vector<2048x8xi32>
    %eq3A_160 = arith.cmpi eq, %iota3A, %eq3A_159 : vector<2048x8xi32>
    %jit3A_161 = arith.constant 0.000000e+00 : f32
    %broadcast_in_dim3A_162 = vector.broadcast %jit3A_161 : f32 to vector<2048x8xf32>
    %select_n3A_163 = arith.select %eq3A_160, %add3A_151, %broadcast_in_dim3A_162 : vector<2048x8xi1>, vector<2048x8xf32>
    %reduce_sum3A_164 = arith.constant dense<0.000000e+00> : vector<2048xf32>
    %reduce_sum3A_165 = vector.multi_reduction <add>, %select_n3A_163, %reduce_sum3A_164 [1] : vector<2048x8xf32> to vector<2048xf32>
    %broadcast_in_dim3A_166 = vector.shape_cast %reduce_sum3A_158 : vector<2048xf32> to vector<1x2048xf32>
    %broadcast_in_dim3A_167 = vector.shape_cast %reduce_sum3A_165 : vector<2048xf32> to vector<1x2048xf32>
    %broadcast_in_dim3A_168 = arith.constant 0.000000e+00 : f32
    %broadcast_in_dim3A_169 = vector.broadcast %broadcast_in_dim3A_168 : f32 to vector<6x2048xf32>
    %concatenate3A_170 = tpu.concatenate %broadcast_in_dim3A_166, %broadcast_in_dim3A_167, %broadcast_in_dim3A_169 in 0 : vector<1x2048xf32>, vector<1x2048xf32>, vector<6x2048xf32> -> vector<8x2048xf32>
    %convert_element_type3A_171 = arith.fptosi %concatenate3A_170 : vector<8x2048xf32> to vector<8x2048xi32>
    %swap3A = arith.constant 0 : index
    %swap3A_172 = arith.constant 0 : index
    %swap3A_173 = vector.load %arg3[%swap3A, %swap3A_172] : memref<8x2048xi32, #tpu.memory_space<vmem>>, vector<8x2048xi32>
    tpu.vector_store %arg3[%swap3A, %swap3A_172], %convert_element_type3A_171 {strides = array<i32>} : memref<8x2048xi32, #tpu.memory_space<vmem>>, vector<8x2048xi32>,
    %broadcast_in_dim3A_174 = arith.constant 0.000000e+00 : f32
    %broadcast_in_dim3A_175 = vector.broadcast %broadcast_in_dim3A_174 : f32 to vector<2048x6xf32>
    %concatenate3A_176 = tpu.concatenate %div3A_43, %div3A_44, %broadcast_in_dim3A_175 in 1 : vector<2048x1xf32>, vector<2048x1xf32>, vector<2048x6xf32> -> vector<2048x8xf32>
    %swap3A_177 = arith.constant 0 : index
    %swap3A_178 = arith.constant 0 : index
    %swap3A_179 = vector.load %arg4[%swap3A_177, %swap3A_178] : memref<2048x8xf32, #tpu.memory_space<vmem>>, vector<2048x8xf32>
    tpu.vector_store %arg4[%swap3A_177, %swap3A_178], %concatenate3A_176 {strides = array<i32>} : memref<2048x8xf32, #tpu.memory_space<vmem>>, vector<2048x8xf32>,
    %iota3A_180 = tpu.iota {dimensions = array<i32: 0>} : vector<40x1xi32>
    %mul3A_181 = arith.constant 128 : i32
    %mul3A_182 = vector.broadcast %mul3A_181 : i32 to vector<40x1xi32>
    %mul3A_183 = arith.muli %iota3A_180, %mul3A_182 : vector<40x1xi32>
    %convert_element_type3A_184 = arith.sitofp %mul3A_183 : vector<40x1xi32> to vector<40x1xf32>
    %ge3A = vector.broadcast %convert_element_type3A_184 : vector<40x1xf32> to vector<40x8xf32>
    %ge3A_185 = vector.broadcast %dot_general3A_144 : vector<1x8xf32> to vector<40x8xf32>
    %ge3A_186 = arith.cmpf oge, %ge3A, %ge3A_185 : vector<40x8xf32>
    %add3A_187 = arith.addf %dot_general3A_144, %convert_element_type3A_138 : vector<1x8xf32>
    %lt3A_188 = vector.broadcast %convert_element_type3A_184 : vector<40x1xf32> to vector<40x8xf32>
    %lt3A_189 = vector.broadcast %add3A_187 : vector<1x8xf32> to vector<40x8xf32>
    %lt3A_190 = arith.cmpf olt, %lt3A_188, %lt3A_189 : vector<40x8xf32>
    %and3A_191 = arith.andi %ge3A_186, %lt3A_190 : vector<40x8xi1>
    %iota3A_192 = tpu.iota {dimensions = array<i32: 1>} : vector<40x8xi32>
    %jit3A_193 = arith.constant 0 : i32
    %broadcast_in_dim3A_194 = vector.broadcast %jit3A_193 : i32 to vector<40x8xi32>
    %select_n3A_195 = arith.select %and3A_191, %iota3A_192, %broadcast_in_dim3A_194 : vector<40x8xi1>, vector<40x8xi32>
    %reduce_sum3A_196 = arith.constant dense<0> : vector<40xi32>
    %reduce_sum3A_197 = vector.multi_reduction <add>, %select_n3A_195, %reduce_sum3A_196 [1] : vector<40x8xi32> to vector<40xi32>
    %squeeze3A = vector.shape_cast %convert_element_type3A_184 : vector<40x1xf32> to vector<40xf32>
    %lt3A_198 = vector.broadcast %reduce_sum3A_149 : f32 to vector<40xf32>
    %lt3A_199 = arith.cmpf olt, %squeeze3A, %lt3A_198 : vector<40xf32>
    %jit3A_200 = arith.constant 7 : i32
    %broadcast_in_dim3A_201 = vector.broadcast %jit3A_200 : i32 to vector<40xi32>
    %select_n3A_202 = arith.select %lt3A_199, %reduce_sum3A_197, %broadcast_in_dim3A_201 : vector<40xi1>, vector<40xi32>
    %broadcast_in_dim3A_203 = vector.shape_cast %select_n3A_202 : vector<40xi32> to vector<1x40xi32>
    %broadcast_in_dim3A_204 = vector.shape_cast %broadcast_in_dim3A_203 : vector<1x40xi32> to vector<1x40xi32>
    %broadcast_in_dim3A_205 = vector.broadcast %broadcast_in_dim3A_204 : vector<1x40xi32> to vector<8x40xi32>
    %swap3A_206 = arith.constant 0 : index
    %swap3A_207 = arith.constant 0 : index
    %swap3A_208 = vector.load %arg5[%swap3A_206, %swap3A_207] : memref<8x40xi32, #tpu.memory_space<vmem>>, vector<8x40xi32>
    tpu.vector_store %arg5[%swap3A_206, %swap3A_207], %broadcast_in_dim3A_205 {strides = array<i32>} : memref<8x40xi32, #tpu.memory_space<vmem>>, vector<8x40xi32>,
    return
  }
}

module attributes {stable_mosaic.version = 14 : i64} {
  func.func @_moe_body(%arg0: i32, %arg1: memref<40xi32, #tpu.memory_space<smem>>, %arg2: memref<128x768xf32, #tpu.memory_space<vmem>>, %arg3: memref<1x768x768xf32, #tpu.memory_space<vmem>>, %arg4: memref<1x1x768xf32, #tpu.memory_space<vmem>>, %arg5: memref<1x768x768xf32, #tpu.memory_space<vmem>>, %arg6: memref<1x1x768xf32, #tpu.memory_space<vmem>>, %arg7: memref<1x768x768xf32, #tpu.memory_space<vmem>>, %arg8: memref<1x1x768xf32, #tpu.memory_space<vmem>>, %arg9: memref<128x768xf32, #tpu.memory_space<vmem>>) attributes {dimension_semantics = [#tpu.dimension_semantics<arbitrary>], iteration_bounds = array<i64: 40>, scalar_prefetch = 1 : i64, scratch_operands = 0 : i64, tpu.core_type = #tpu.core_type<tc>, window_params = [{transform_indices = @transform_0, window_bounds = array<i64: 128, 768>}, {transform_indices = @transform_1, window_bounds = array<i64: 1, 768, 768>}, {transform_indices = @transform_2, window_bounds = array<i64: 1, 1, 768>}, {transform_indices = @transform_3, window_bounds = array<i64: 1, 768, 768>}, {transform_indices = @transform_4, window_bounds = array<i64: 1, 1, 768>}, {transform_indices = @transform_5, window_bounds = array<i64: 1, 768, 768>}, {transform_indices = @transform_6, window_bounds = array<i64: 1, 1, 768>}, {transform_indices = @transform_7, window_bounds = array<i64: 128, 768>}]} {
    %get3A = arith.constant 0 : index
    %get3A_0 = arith.constant 0 : index
    %get3A_1 = vector.load %arg2[%get3A, %get3A_0] : memref<128x768xf32, #tpu.memory_space<vmem>>, vector<128x768xf32>
    %get3A_2 = arith.constant 0 : index
    %get3A_3 = arith.constant 0 : index
    %get3A_4 = arith.constant 0 : index
    %get3A_5 = vector.load %arg3[%get3A_2, %get3A_3, %get3A_4] : memref<1x768x768xf32, #tpu.memory_space<vmem>>, vector<1x768x768xf32>
    %get3A_6 = vector.shape_cast %get3A_5 : vector<1x768x768xf32> to vector<768x768xf32>
    %dot_general3A = arith.constant dense<0.000000e+00> : vector<128x768xf32>
    %dot_general3A_7 = tpu.matmul %get3A_1, %get3A_6, %dot_general3A {dimension_numbers = #tpu.dot_dimension_numbers<[1], [0], [0], [1], [0, 0, 1, 1], [], []>, transpose_lhs_hint = false} : vector<128x768xf32>, vector<768x768xf32>, vector<128x768xf32> -> vector<128x768xf32>
    %get3A_8 = arith.constant 0 : index
    %get3A_9 = arith.constant 0 : index
    %get3A_10 = arith.constant 0 : index
    %get3A_11 = vector.load %arg4[%get3A_8, %get3A_9, %get3A_10] : memref<1x1x768xf32, #tpu.memory_space<vmem>>, vector<1x1x768xf32>
    %get3A_12 = vector.shape_cast %get3A_11 : vector<1x1x768xf32> to vector<768xf32>
    %broadcast_in_dim3A = vector.shape_cast %get3A_12 : vector<768xf32> to vector<1x768xf32>
    %add3A = vector.broadcast %broadcast_in_dim3A : vector<1x768xf32> to vector<128x768xf32>
    %add3A_13 = arith.addf %dot_general3A_7, %add3A : vector<128x768xf32>
    %gt3A = arith.constant 0.000000e+00 : f32
    %gt3A_14 = vector.broadcast %gt3A : f32 to vector<128x768xf32>
    %gt3A_15 = arith.cmpf ogt, %add3A_13, %gt3A_14 : vector<128x768xf32>
    %mul3A = arith.constant 0.00999999977 : f32
    %mul3A_16 = vector.broadcast %mul3A : f32 to vector<128x768xf32>
    %mul3A_17 = arith.mulf %mul3A_16, %add3A_13 : vector<128x768xf32>
    %select_n3A = arith.select %gt3A_15, %add3A_13, %mul3A_17 : vector<128x768xi1>, vector<128x768xf32>
    %get3A_18 = arith.constant 0 : index
    %get3A_19 = arith.constant 0 : index
    %get3A_20 = arith.constant 0 : index
    %get3A_21 = vector.load %arg5[%get3A_18, %get3A_19, %get3A_20] : memref<1x768x768xf32, #tpu.memory_space<vmem>>, vector<1x768x768xf32>
    %get3A_22 = vector.shape_cast %get3A_21 : vector<1x768x768xf32> to vector<768x768xf32>
    %dot_general3A_23 = arith.constant dense<0.000000e+00> : vector<128x768xf32>
    %dot_general3A_24 = tpu.matmul %select_n3A, %get3A_22, %dot_general3A_23 {dimension_numbers = #tpu.dot_dimension_numbers<[1], [0], [0], [1], [0, 0, 1, 1], [], []>, transpose_lhs_hint = false} : vector<128x768xf32>, vector<768x768xf32>, vector<128x768xf32> -> vector<128x768xf32>
    %get3A_25 = arith.constant 0 : index
    %get3A_26 = arith.constant 0 : index
    %get3A_27 = arith.constant 0 : index
    %get3A_28 = vector.load %arg6[%get3A_25, %get3A_26, %get3A_27] : memref<1x1x768xf32, #tpu.memory_space<vmem>>, vector<1x1x768xf32>
    %get3A_29 = vector.shape_cast %get3A_28 : vector<1x1x768xf32> to vector<768xf32>
    %broadcast_in_dim3A_30 = vector.shape_cast %get3A_29 : vector<768xf32> to vector<1x768xf32>
    %add3A_31 = vector.broadcast %broadcast_in_dim3A_30 : vector<1x768xf32> to vector<128x768xf32>
    %add3A_32 = arith.addf %dot_general3A_24, %add3A_31 : vector<128x768xf32>
    %gt3A_33 = arith.constant 0.000000e+00 : f32
    %gt3A_34 = vector.broadcast %gt3A_33 : f32 to vector<128x768xf32>
    %gt3A_35 = arith.cmpf ogt, %add3A_32, %gt3A_34 : vector<128x768xf32>
    %mul3A_36 = arith.constant 0.00999999977 : f32
    %mul3A_37 = vector.broadcast %mul3A_36 : f32 to vector<128x768xf32>
    %mul3A_38 = arith.mulf %mul3A_37, %add3A_32 : vector<128x768xf32>
    %select_n3A_39 = arith.select %gt3A_35, %add3A_32, %mul3A_38 : vector<128x768xi1>, vector<128x768xf32>
    %get3A_40 = arith.constant 0 : index
    %get3A_41 = arith.constant 0 : index
    %get3A_42 = arith.constant 0 : index
    %get3A_43 = vector.load %arg7[%get3A_40, %get3A_41, %get3A_42] : memref<1x768x768xf32, #tpu.memory_space<vmem>>, vector<1x768x768xf32>
    %get3A_44 = vector.shape_cast %get3A_43 : vector<1x768x768xf32> to vector<768x768xf32>
    %dot_general3A_45 = arith.constant dense<0.000000e+00> : vector<128x768xf32>
    %dot_general3A_46 = tpu.matmul %select_n3A_39, %get3A_44, %dot_general3A_45 {dimension_numbers = #tpu.dot_dimension_numbers<[1], [0], [0], [1], [0, 0, 1, 1], [], []>, transpose_lhs_hint = false} : vector<128x768xf32>, vector<768x768xf32>, vector<128x768xf32> -> vector<128x768xf32>
    %get3A_47 = arith.constant 0 : index
    %get3A_48 = arith.constant 0 : index
    %get3A_49 = arith.constant 0 : index
    %get3A_50 = vector.load %arg8[%get3A_47, %get3A_48, %get3A_49] : memref<1x1x768xf32, #tpu.memory_space<vmem>>, vector<1x1x768xf32>
    %get3A_51 = vector.shape_cast %get3A_50 : vector<1x1x768xf32> to vector<768xf32>
    %broadcast_in_dim3A_52 = vector.shape_cast %get3A_51 : vector<768xf32> to vector<1x768xf32>
    %add3A_53 = vector.broadcast %broadcast_in_dim3A_52 : vector<1x768xf32> to vector<128x768xf32>
    %add3A_54 = arith.addf %dot_general3A_46, %add3A_53 : vector<128x768xf32>
    %swap3A = arith.constant 0 : index
    %swap3A_55 = arith.constant 0 : index
    %swap3A_56 = vector.load %arg9[%swap3A, %swap3A_55] : memref<128x768xf32, #tpu.memory_space<vmem>>, vector<128x768xf32>
    tpu.vector_store %arg9[%swap3A, %swap3A_55], %add3A_54 {strides = array<i32>} : memref<128x768xf32, #tpu.memory_space<vmem>>, vector<128x768xf32>,
    return
  }
  func.func @transform_0(%arg0: i32, %arg1: memref<40xi32, #tpu.memory_space<smem>>) -> (i32, i32) {
    %c0_i32 = arith.constant 0 : i32
    %c0_i32_0 = arith.constant 0 : i32
    return %arg0, %c0_i32 : i32, i32
  }
  func.func @transform_1(%arg0: i32, %arg1: memref<40xi32, #tpu.memory_space<smem>>) -> (i32, i32, i32) {
    %get3A = arith.index_cast %arg0 : i32 to index
    %get3A_0 = memref.load %arg1[%get3A] : memref<40xi32, #tpu.memory_space<smem>>
    %c0_i32 = arith.constant 0 : i32
    %c0_i32_1 = arith.constant 0 : i32
    %c0_i32_2 = arith.constant 0 : i32
    return %get3A_0, %c0_i32, %c0_i32_1 : i32, i32, i32
  }
  func.func @transform_2(%arg0: i32, %arg1: memref<40xi32, #tpu.memory_space<smem>>) -> (i32, i32, i32) {
    %get3A = arith.index_cast %arg0 : i32 to index
    %get3A_0 = memref.load %arg1[%get3A] : memref<40xi32, #tpu.memory_space<smem>>
    %c0_i32 = arith.constant 0 : i32
    %c0_i32_1 = arith.constant 0 : i32
    %c0_i32_2 = arith.constant 0 : i32
    return %get3A_0, %c0_i32, %c0_i32_1 : i32, i32, i32
  }
  func.func @transform_3(%arg0: i32, %arg1: memref<40xi32, #tpu.memory_space<smem>>) -> (i32, i32, i32) {
    %get3A = arith.index_cast %arg0 : i32 to index
    %get3A_0 = memref.load %arg1[%get3A] : memref<40xi32, #tpu.memory_space<smem>>
    %c0_i32 = arith.constant 0 : i32
    %c0_i32_1 = arith.constant 0 : i32
    %c0_i32_2 = arith.constant 0 : i32
    return %get3A_0, %c0_i32, %c0_i32_1 : i32, i32, i32
  }
  func.func @transform_4(%arg0: i32, %arg1: memref<40xi32, #tpu.memory_space<smem>>) -> (i32, i32, i32) {
    %get3A = arith.index_cast %arg0 : i32 to index
    %get3A_0 = memref.load %arg1[%get3A] : memref<40xi32, #tpu.memory_space<smem>>
    %c0_i32 = arith.constant 0 : i32
    %c0_i32_1 = arith.constant 0 : i32
    %c0_i32_2 = arith.constant 0 : i32
    return %get3A_0, %c0_i32, %c0_i32_1 : i32, i32, i32
  }
  func.func @transform_5(%arg0: i32, %arg1: memref<40xi32, #tpu.memory_space<smem>>) -> (i32, i32, i32) {
    %get3A = arith.index_cast %arg0 : i32 to index
    %get3A_0 = memref.load %arg1[%get3A] : memref<40xi32, #tpu.memory_space<smem>>
    %c0_i32 = arith.constant 0 : i32
    %c0_i32_1 = arith.constant 0 : i32
    %c0_i32_2 = arith.constant 0 : i32
    return %get3A_0, %c0_i32, %c0_i32_1 : i32, i32, i32
  }
  func.func @transform_6(%arg0: i32, %arg1: memref<40xi32, #tpu.memory_space<smem>>) -> (i32, i32, i32) {
    %get3A = arith.index_cast %arg0 : i32 to index
    %get3A_0 = memref.load %arg1[%get3A] : memref<40xi32, #tpu.memory_space<smem>>
    %c0_i32 = arith.constant 0 : i32
    %c0_i32_1 = arith.constant 0 : i32
    %c0_i32_2 = arith.constant 0 : i32
    return %get3A_0, %c0_i32, %c0_i32_1 : i32, i32, i32
  }
  func.func @transform_7(%arg0: i32, %arg1: memref<40xi32, #tpu.memory_space<smem>>) -> (i32, i32) {
    %c0_i32 = arith.constant 0 : i32
    %c0_i32_0 = arith.constant 0 : i32
    return %arg0, %c0_i32 : i32, i32
  }
}

module attributes {stable_mosaic.version = 14 : i64} {
  func.func @_combine_body(%arg0: i32, %arg1: memref<256x768xf32, #tpu.memory_space<vmem>>, %arg2: memref<256x768xf32, #tpu.memory_space<vmem>>, %arg3: memref<256x8xf32, #tpu.memory_space<vmem>>, %arg4: memref<256x768xf32, #tpu.memory_space<vmem>>) attributes {dimension_semantics = [#tpu.dimension_semantics<arbitrary>], iteration_bounds = array<i64: 8>, scalar_prefetch = 0 : i64, scratch_operands = 0 : i64, tpu.core_type = #tpu.core_type<tc>, window_params = [{transform_indices = @transform_0, window_bounds = array<i64: 256, 768>}, {transform_indices = @transform_1, window_bounds = array<i64: 256, 768>}, {transform_indices = @transform_2, window_bounds = array<i64: 256, 8>}, {transform_indices = @transform_3, window_bounds = array<i64: 256, 768>}]} {
    %get3A = arith.constant 0 : index
    %get3A_0 = arith.constant 0 : index
    %get3A_1 = vector.load %arg3[%get3A, %get3A_0] : memref<256x8xf32, #tpu.memory_space<vmem>>, vector<256x1xf32>
    %get3A_2 = arith.constant 0 : index
    %get3A_3 = arith.constant 1 : index
    %get3A_4 = vector.load %arg3[%get3A_2, %get3A_3] : memref<256x8xf32, #tpu.memory_space<vmem>>, vector<256x1xf32>
    %get3A_5 = arith.constant 0 : index
    %get3A_6 = arith.constant 0 : index
    %get3A_7 = vector.load %arg1[%get3A_5, %get3A_6] : memref<256x768xf32, #tpu.memory_space<vmem>>, vector<256x768xf32>
    %mul3A = vector.broadcast %get3A_1 : vector<256x1xf32> to vector<256x768xf32>
    %mul3A_8 = arith.mulf %mul3A, %get3A_7 : vector<256x768xf32>
    %get3A_9 = arith.constant 0 : index
    %get3A_10 = arith.constant 0 : index
    %get3A_11 = vector.load %arg2[%get3A_9, %get3A_10] : memref<256x768xf32, #tpu.memory_space<vmem>>, vector<256x768xf32>
    %mul3A_12 = vector.broadcast %get3A_4 : vector<256x1xf32> to vector<256x768xf32>
    %mul3A_13 = arith.mulf %mul3A_12, %get3A_11 : vector<256x768xf32>
    %add3A = arith.addf %mul3A_8, %mul3A_13 : vector<256x768xf32>
    %swap3A = arith.constant 0 : index
    %swap3A_14 = arith.constant 0 : index
    %swap3A_15 = vector.load %arg4[%swap3A, %swap3A_14] : memref<256x768xf32, #tpu.memory_space<vmem>>, vector<256x768xf32>
    tpu.vector_store %arg4[%swap3A, %swap3A_14], %add3A {strides = array<i32>} : memref<256x768xf32, #tpu.memory_space<vmem>>, vector<256x768xf32>,
    return
  }
  func.func @transform_0(%arg0: i32) -> (i32, i32) {
    %c0_i32 = arith.constant 0 : i32
    %c0_i32_0 = arith.constant 0 : i32
    return %arg0, %c0_i32 : i32, i32
  }
  func.func @transform_1(%arg0: i32) -> (i32, i32) {
    %add3A = arith.constant 8 : i32
    %add3A_0 = arith.addi %add3A, %arg0 : i32
    %c0_i32 = arith.constant 0 : i32
    %c0_i32_1 = arith.constant 0 : i32
    return %add3A_0, %c0_i32 : i32, i32
  }
  func.func @transform_2(%arg0: i32) -> (i32, i32) {
    %c0_i32 = arith.constant 0 : i32
    %c0_i32_0 = arith.constant 0 : i32
    return %arg0, %c0_i32 : i32, i32
  }
  func.func @transform_3(%arg0: i32) -> (i32, i32) {
    %c0_i32 = arith.constant 0 : i32
    %c0_i32_0 = arith.constant 0 : i32
    return %arg0, %c0_i32 : i32, i32
  }
}

</mosaic_0001>

<sc_bundles>
// kernel: sc_gather_4096.3.cloned.1.call-start
scs
__scs_entry_jumppad:
0x0: {  	(pc) =	sbr.rel $0x88, $3  }
0x1: {  	(tag) =	ssettag $0x0;
	lr =	simm.s32 $0x1  }
0x2: {  	[smem:$0x3F98] =	sst lr;
	_ =	strace $0xD0000000  }
0x3: {  	_ = 	snop  }
0x4: {  	_ = 	snop  }
0x5: {  	_ = 	snop  }
0x6: {  	_ = 	snop  }
0x7: {  	_ = 	snop  }
__scs_overlays_trampoline_lowered:
0x8: {  	[smem:$0x3FA7] =	sst s0  }
0x9: {  	[smem:$0x3FA8] =	sst s1  }
0xa: {  	[smem:$0x3FA9] =	sst s2  }
0xb: {  	[smem:$0x3FAA] =	sst s3  }
0xc: {  	[smem:$0x3FAB] =	sst s4  }
0xd: {  	[smem:$0x3FAC] =	sst s5  }
0xe: {  	[smem:$0x3FAD] =	sst s6  }
0xf: {  	[smem:$0x3FAE] =	sst s7  }
0x10: {  	[smem:$0x3FAF] =	sst s8  }
0x11: {  	[smem:$0x3FB0] =	sst s9;
	s0 =	simm.s32 @!p0 $0x0  }
0x12: {  	s1 =	sld [smem:$0x3F96];
	s0 =	simm.s32 @p0 $0x1  }
0x13: {  	[smem:$0x3FB1] =	sst s0;
	s0 =	simm.s32 @!p1 $0x0  }
0x14: {  	s2 =	sld [smem:$0x3F95];
	s0 =	simm.s32 @p1 $0x1  }
0x15: {  	[smem:$0x3FB2] =	sst s0;
	s0 =	simm.s32 @!p2 $0x0  }
0x16: {  	s3 =	sld [smem:$0x3FDB];
	s0 =	simm.s32 @p2 $0x1  }
0x17: {  	s4 =	simm.s32 $0x1BF5;
	[smem:$0x3FB4] =	sst s0  }
0x18: {  	s0 =	sld [smem:$0x3F97];
	_ =	swait.ge [sflag:s4], $0x0  }
0x19: {  	s7 =	sld [smem:$0x3F98]  }
0x1a: {  	s8 =	sadd.s32 $0xFFFFE003, lr  }
0x1b: {  	s9 =	sadd.s32 $0xFFFFFEF7, lr;
	s5 =	simm.s32 $0xFFFFFFFF;
	p2 =	slt.u32 s8, $0xFFFFF086  }
0x1c: {  	p1 =	slt.u32 s9, $0xF7A;
	s5 =	simm.s32 @!p2 $0x0  }
0x1d: {  	s5 =	simm.s32 @p1 $0x1;
	p0 =	seq.s32 s7, s2  }
0x1e: {  	s7 =	smul.u32 @!p0 $0xF7A, s2;
	p2 =	seq.s32 @!p0 s5, $0x0  }
0x1f: {  	s9 =	smul.u32 $0xF7A, s1;
	s8 =	simm.s32 @!p0 $0x1BF5;
	p2 =	por !p2, p0  }
0x20: {  	[sflag:s8] =	ssyncset.s32 @!p0 $0xFFFFF086;
	s6 =	sadd.s32 @!p0 s3, s7;
	s7 =	simm.s32 @!p0 $0x108  }
0x21: {  	s3 =	sadd.s32 s3, s9;
	s6 =	sadd.s32 @!p0 $0x88, s6;
	s7 =	simm.s32 @p2 $0x1082  }
0x22: {  	[simem:s7], [sflag:s8] =	dma.local @!p0 [hbm:s6], $0xF7A  }
0x23: {  	s9 =	sor.u32 $0xD0000000, s2;
	s6 =	simm.s32 $0x108;
	_ =	swait.ge @!p0 [sflag:s8], $0x0  }
0x24: {  	s3 =	sadd.s32 $0x88, s3;
	s6 =	simm.s32 @!p1 $0x1082;
	[sflag:s4] =	ssyncset.s32 $0xFFFFF086  }
0x25: {  	[simem:s6], [sflag:s4] =	dma.local [hbm:s3], $0xF7A  }
0x26: {  	[smem:$0x3F98] =	sst s1;
	(tag) =	ssettag s2;
	_ =	strace s9  }
0x27: {  	s1 =	sld [smem:$0x3FA8]  }
0x28: {  	s2 =	sld [smem:$0x3FA9]  }
0x29: {  	s4 =	sld [smem:$0x3FAB]  }
0x2a: {  	p0 =	seq.s32 s5, $0x0;
	s5 =	sld [smem:$0x3FAC]  }
0x2b: {  	s6 =	sld [smem:$0x3FAD]  }
0x2c: {  	s7 =	sld [smem:$0x3FAE]  }
0x2d: {  	s3 =	simm.s32 $0x108;
	s8 =	sld [smem:$0x3FAF]  }
0x2e: {  	s3 =	simm.s32 @!p0 $0x1082;
	s9 =	sld [smem:$0x3FB0]  }
0x2f: {  	lr =	sadd.s32 s0, s3;
	s0 =	sld [smem:$0x3FA7]  }
0x30: {  	s3 =	sld [smem:$0x3FAA]  }
0x31: {  	[smem:$0x3FB3] =	sst s10  }
0x32: {  	s10 =	sld [smem:$0x3FB1];
	_ =	sdelay $0x3  }
0x33: {  	p0 =	seq.s32 s10, $0x1;
	s10 =	sld [smem:$0x3FB3];
	_ =	sdelay $0x3  }
0x34: {  	[smem:$0x3FB3] =	sst s10  }
0x35: {  	s10 =	sld [smem:$0x3FB2];
	_ =	sdelay $0x3  }
0x36: {  	p1 =	seq.s32 s10, $0x1;
	s10 =	sld [smem:$0x3FB3];
	_ =	sdelay $0x3  }
0x37: {  	[smem:$0x3FB3] =	sst s10  }
0x38: {  	s10 =	sld [smem:$0x3FB4]  }
0x39: {  	_ = 	snop;
	(pc) =	sbr.ind lr, $3  }
0x3a: {  	_ = 	snop  }
0x3b: {  	_ = 	snop  }
0x3c: {  	p2 =	seq.s32 s10, $0x1;
	s10 =	sld [smem:$0x3FB3]  }
0x3d: {  	_ =	shalt  }
0x3e: {  	_ =	shalt  }
0x3f: {  	_ =	shalt  }
0x40: {  	_ =	shalt  }
0x41: {  	_ =	shalt  }
0x42: {  	_ =	shalt  }
0x43: {  	_ =	shalt  }
0x44: {  	_ =	shalt  }
0x45: {  	_ =	shalt  }
0x46: {  	_ =	shalt  }
0x47: {  	_ =	shalt  }
0x48: {  	_ =	shalt  }
0x49: {  	_ =	shalt  }
0x4a: {  	_ =	shalt  }
0x4b: {  	_ =	shalt  }
0x4c: {  	_ =	shalt  }
0x4d: {  	_ =	shalt  }
0x4e: {  	_ =	shalt  }
0x4f: {  	_ =	shalt  }
0x50: {  	_ =	shalt  }
0x51: {  	_ =	shalt  }
0x52: {  	_ =	shalt  }
0x53: {  	_ =	shalt  }
0x54: {  	_ =	shalt  }
0x55: {  	_ =	shalt  }
0x56: {  	_ =	shalt  }
0x57: {  	_ =	shalt  }
0x58: {  	_ =	shalt  }
0x59: {  	_ =	shalt  }
0x5a: {  	_ =	shalt  }
0x5b: {  	_ =	shalt  }
0x5c: {  	_ =	shalt  }
0x5d: {  	_ =	shalt  }
0x5e: {  	_ =	shalt  }
0x5f: {  	_ =	shalt  }
0x60: {  	_ =	shalt  }
0x61: {  	_ =	shalt  }
0x62: {  	_ =	shalt  }
0x63: {  	_ =	shalt  }
0x64: {  	_ =	shalt  }
0x65: {  	_ =	shalt  }
0x66: {  	_ =	shalt  }
0x67: {  	_ =	shalt  }
0x68: {  	_ =	shalt  }
0x69: {  	_ =	shalt  }
0x6a: {  	_ =	shalt  }
0x6b: {  	_ =	shalt  }
0x6c: {  	_ =	shalt  }
0x6d: {  	_ =	shalt  }
0x6e: {  	_ =	shalt  }
0x6f: {  	_ =	shalt  }
0x70: {  	_ =	shalt  }
0x71: {  	_ =	shalt  }
0x72: {  	_ =	shalt  }
0x73: {  	_ =	shalt  }
0x74: {  	_ =	shalt  }
0x75: {  	_ =	shalt  }
0x76: {  	_ =	shalt  }
0x77: {  	_ =	shalt  }
0x78: {  	_ =	shalt  }
0x79: {  	_ =	shalt  }
0x7a: {  	_ =	shalt  }
0x7b: {  	_ =	shalt  }
0x7c: {  	_ =	shalt  }
0x7d: {  	_ =	shalt  }
0x7e: {  	_ =	shalt  }
0x7f: {  	_ =	shalt  }
0x80: {  	_ =	shalt  }
0x81: {  	_ =	shalt  }
0x82: {  	_ =	shalt  }
0x83: {  	_ =	shalt  }
0x84: {  	_ =	shalt  }
0x85: {  	_ =	shalt  }
0x86: {  	_ =	shalt  }
0x87: {  	_ =	shalt  }
.Lfunc_end0:
.L_simem_size_0:
called_computation.1_lowered:
.L_overlay_start_0:
0x88: {  	s2 =	sld [smem:$0x3FD9]  }
0x89: {  	s3 =	sld [smem:$0x3FFE];
	_ =	sdelay $0x1  }
0x8a: {  	s1 =	srdreg.scid  }
0x8b: {  	s0 =	sand.u32 $0x1, s1  }
0x8c: {  	s17 =	sshll.u32 s0, $0xA;
	s2 =	sadd.s32 s3, s2  }
0x8d: {  	s2 =	sadd.s32 s2, s17  }
0x8e: {  	[smem:$0x3FBF] =	sst s2  }
0x8f: {  	_ = 	snop  }
0x90: {  	s2 =	sld [smem:$0x3FD0];
	(tm) =	ssettm $0x1  }
0x91: {  	s18 =	sld [smem:$0x3FFB];
	_ =	sdelay $0x3  }
0x92: {  	_ =	strace s18  }
0x93: {  	s3 =	sld [smem:$0x3FFC];
	_ =	sdelay $0x3  }
0x94: {  	_ =	strace s3  }
0x95: {  	s3 =	sld [smem:$0x3FFD];
	_ =	sdelay $0x3  }
0x96: {  	_ =	strace s3  }
0x97: {  	_ =	strace $0x8FFFFFFF  }
0x98: {  	s19 =	sld [smem:$0x3FDB];
	_ =	sdelay $0x1  }
0x99: {  	s4 =	simm.s32 $_scs_section_size  }
0x9a: {  	s5 =	simm.s32 $_size__tile_overlayer_lowered;
	s6 =	simm.s32 $_tile_overlayer_lowered  }
0x9b: {  	s22 =	simm.s32 $0x1BFF;
	s21 =	sshll.u32 s6, $0x1;
	s3 =	sadd.s32 s4, s19  }
0x9c: {  	s7 =	simm.s32 $0x0;
	s20 =	sshll.u32 s5, $0x1;
	s5 =	sadd.s32 s21, s3  }
0x9d: {  	[timem:s7], [sflag:s22] =	dma.local [hbm:s5], s20  }
0x9e: {  	_ =	swait.ge [sflag:s22], s20  }
0x9f: {  	s4 =	ssub.s32 $0x0, s20;
	[sflag:s22] =	ssyncset.done $0x0  }
0xa0: {  	[sflag:s22] =	ssyncadd.s32 s4;
	_ =	sdelay $0x1  }
0xa1: {  	s23 =	simm.s32 $0x1B8B  }
0xa2: {  	_ =	swait.ge [sflag:s23], $0x1  }
0xa3: {  	[sflag:s23] =	ssyncset.done $0x0  }
0xa4: {  	s25 =	simm.s32 $0x1B8E;
	s24 =	sld [smem:$0x3FFE];
	[sflag:s23] =	ssyncadd.s32 $0xFFFFFFFF  }
0xa5: {  	s26 =	simm.s32 $execute0_lowered;
	[smem:$0x3FD2] =	sst s25  }
0xa6: {  	s5 =	sshll.u32 s26, $0x1;
	_ =	strace $0x80000049;
	[dreg:$0x1] =	wrdreg $0xFFFFFFFF  }
0xa7: {  	s28 =	simm.s32 $_size_execute0_lowered;
	s3 =	sadd.s32 s3, s5;
	[dreg:$0x0] =	wrdreg $0x0  }
0xa8: {  	s5 =	sshll.u32 s28, $0x1;
	[dreg:$0x2] =	wrdreg s3  }
0xa9: {  	[dreg:$0x3] =	wrdreg s5  }
0xaa: {  	[dreg:$0x4] =	wrdreg $0xC0  }
0xab: {  	_ =	task [dreg:s7], $0x5FFFF  }
0xac: {  	[dreg:$0x1] =	wrdreg $0xFFFFFFFF  }
0xad: {  	[dreg:$0x0] =	wrdreg $0x60  }
0xae: {  	[dreg:$0x2] =	wrdreg s24  }
0xaf: {  	[dreg:$0x3] =	wrdreg s2  }
0xb0: {  	[dreg:$0x4] =	wrdreg $0x9  }
0xb1: {  	_ =	task.clear_ibuf [dreg:s7], $0x5FFFF;
	_ =	strace $0x90000049  }
0xb2: {  	s29 =	simm.s32 $0x9;
	_ =	strace $0x8000004B  }
0xb3: {  	_ =	swait.ge [sflag:s29], $0x1  }
0xb4: {  	[sflag:s29] =	ssyncadd.s32 $0xFFFFFFFF  }
0xb5: {  	_ =	strace $0x9000004B  }
0xb6: {  	_ =	sfence  }
0xb7: {  	s30 =	sld [smem:$0x0];
	_ =	sdelay $0x2  }
0xb8: {  	s31 =	sshll.u32 s1, $0xD;
	s1 =	sshrl.u32 s1, $0x2  }
0xb9: {  	s3 =	sand.u32 $0x4000, s31;
	s1 =	sadd.s32 s1, s30  }
0xba: {  	s0 =	sor.u32 s3, s0;
	s1 =	sshll.u32 s1, $0x11  }
0xbb: {  	s0 =	sor.u32 s1, s0  }
0xbc: {  	s0 =	sadd.s32 $0x8F2B, s0  }
0xbd: {  	[sflag:s0] =	ssyncadd.remote.s32 $0x1  }
0xbe: {  	_ =	sfence.sel $0xFFFF  }
0xbf: {  	[dreg:$0x0] =	wrdreg $0xFFFFFFFF;
	(pc) =	sbr.abs _section_cstart, $3  }
0xc0: {  	[dreg:$0x1] =	wrdreg $0xFFFFFFFF  }
0xc1: {  	_ =	task.clear_ibuf [dreg:s7], $0x2FFFF;
	_ =	strace $0x9FFFFFFF  }
0xc2: {  	(tm) =	ssettm $0x7FFFFFFF  }
0xc3: {  	_ =	shalt  }
tec
execute0_lowered:
.L_overlay_start_1:
0x0: {  	(tag) =	ssettag $0x1  }
0x1: {  	s2 =	srdreg.scid;
	s1 =	rddreg [dreg:$0x0]  }
0x2: {  	s3 =	rddreg [dreg:$0x1];
	s4 =	sand.u32 $0x1, s2;
	s2 =	simm.s32 $0x0  }
0x3: {  	s21 =	simm.s32 $0x880;
	[smem:$0x7FF] =	sst s2  }
0x4: {  	s22 =	simm.s32 $0x1080;
	_ =	strace $0x8000004A;
	[dreg:$0x6] =	wrdreg s21  }
0x5: {  	s23 =	simm.s32 $0x1880;
	[dreg:$0x7] =	wrdreg s22  }
0x6: {  	s24 =	simm.s32 $0x2080;
	[dreg:$0x8] =	wrdreg s23  }
0x7: {  	s25 =	simm.s32 $0x2880;
	[dreg:$0x9] =	wrdreg s24  }
0x8: {  	s0 =	stileid.u32;
	s26 =	simm.s32 $0x3080;
	[dreg:$0xa] =	wrdreg s25  }
0x9: {  	s5 =	sshll.u32 s0, $0x5;
	s0 =	simm.s32 $0x3880;
	[dreg:$0xb] =	wrdreg s26  }
0xa: {  	s9 =	simm.s32 $0x6080;
	[dreg:$0xc] =	wrdreg s0  }
0xb: {  	s10 =	simm.s32 $0x6880;
	[dreg:$0x11] =	wrdreg s9  }
0xc: {  	s11 =	simm.s32 $0x7080;
	[dreg:$0x12] =	wrdreg s10  }
0xd: {  	s12 =	simm.s32 $0x7880;
	s13 =	simm.s32 $0x8080;
	[dreg:$0x13] =	wrdreg s11  }
0xe: {  	s14 =	simm.s32 $0x8880;
	s15 =	simm.s32 $0x9080;
	[dreg:$0x14] =	wrdreg s12  }
0xf: {  	s16 =	simm.s32 $0x9880;
	s17 =	simm.s32 $0xA080;
	[dreg:$0x15] =	wrdreg s13  }
0x10: {  	s28 =	simm.s32 $0x17880;
	s29 =	simm.s32 $0x1;
	[dreg:$0x16] =	wrdreg s14  }
0x11: {  	s30 =	simm.s32 $0x2;
	s31 =	simm.s32 $0x3;
	[dreg:$0x17] =	wrdreg s15  }
0x12: {  	s8 =	sadd.s32 $0x79800, s1;
	s6 =	sshll.u32 s4, $0x4;
	[dreg:$0x18] =	wrdreg s16  }
0x13: {  	s4 =	ssub.s32 $0x2, s4;
	s5 =	sor.u32 s6, s5;
	[dreg:$0x19] =	wrdreg s17  }
0x14: {  	s21 =	simm.s32 $0xB880;
	s22 =	simm.s32 $0xC880;
	s23 =	simm.s32 $0xD080  }
0x15: {  	s24 =	simm.s32 $0xD880;
	s25 =	simm.s32 $0xE080;
	s26 =	simm.s32 $0xE880  }
0x16: {  	s9 =	simm.s32 $0xC080;
	s11 =	simm.s32 $0xF880;
	[dreg:$0x1c] =	wrdreg s21  }
0x17: {  	s12 =	simm.s32 $0x10080;
	s13 =	simm.s32 $0x10880;
	[dreg:$0x1d] =	wrdreg s22  }
0x18: {  	s14 =	simm.s32 $0x11080;
	s15 =	simm.s32 $0x11880;
	[dreg:$0x1e] =	wrdreg s23  }
0x19: {  	s16 =	simm.s32 $0x12080;
	s6 =	smul.u32 $0x1800, s5;
	[dreg:$0x1f] =	wrdreg s24  }
0x1a: {  	s17 =	simm.s32 $0x12880;
	s7 =	smul.u32 $0x300, s5;
	[smem:$0x7FC] =	sst s25  }
0x1b: {  	s3 =	sadd.s32 s3, s5;
	[smem:$0x7FD] =	sst s26;
	s21 =	simm.s32 $0x14880  }
0x1c: {  	s22 =	simm.s32 $0x15080;
	s23 =	simm.s32 $0x15880;
	s24 =	simm.s32 $0x16080  }
0x1d: {  	s25 =	simm.s32 $0x16880;
	[dreg:$0x3] =	wrdreg s3;
	s19 =	sadd.s32 s8, s7  }
0x1e: {  	s18 =	sshrl.u32 s6, $0x3;
	s6 =	simm.s32 $0x4880;
	[dreg:$0x4] =	wrdreg s19  }
0x1f: {  	s26 =	simm.s32 $0x17080;
	s7 =	simm.s32 $0x5080;
	[dreg:$0xe] =	wrdreg s6  }
0x20: {  	s3 =	sadd.s32 $0x1800, s1;
	s5 =	sadd.s32 s8, s18;
	[dreg:$0xf] =	wrdreg s7  }
0x21: {  	s8 =	simm.s32 $0x5880;
	s18 =	simm.s32 $0xA880;
	s19 =	sshrl.u32 s4, $0x1  }
0x22: {  	s7 =	simm.s32 $0x5;
	s20 =	sadd.s32 $0x1800, s5;
	[dreg:$0x10] =	wrdreg s8  }
0x23: {  	s5 =	simm.s32 $0x4080;
	[dreg:$0x1a] =	wrdreg s18;
	s6 =	ssub.s32 s4, s19  }
0x24: {  	s4 =	sadd.s32 $0x1900, s1;
	s8 =	simm.s32 $0x80;
	[dreg:$0x5] =	wrdreg s20  }
0x25: {  	v2 =	vlaneseq.u32;
	s18 =	simm.s32 $0x13080;
	s19 =	simm.s32 $0x13880;
	[dreg:$0xd] =	wrdreg s5  }
0x26: {  	vm0 =	vmmov $0xffff;
	v1 =	vshrl.u32 v2, $0x3;
	s20 =	simm.s32 $0xB080;
	s5 =	sadd.s32 $0x1A00, s1;
	s6 =	smax.u32 s6, $0x1  }
0x27: {  	v0 =	vand.u32 $0x7, v2;
	v2 =	vor.u32 $0x8, v2;
	v1 =	vmul.u32 $0x8, v1;
	s1 =	simm.s32 $0x4;
	[dreg:$0x1b] =	wrdreg s20;
	s20 =	simm.s32 $0x14080  }
.LBB2_1:
0x28: {  	s0 =	rddreg [dreg:$0x3]  }
0x29: {  	[tilespmem:s2], [sflag:$0x5] =	stream.linear.gather [hbm4b:s0+s2], $0x80, $0x38;
	[tilespmem:$0x18080] =	vst v63  }
0x2a: {  	_ =	swait.ge [sflag:s7], $0x80  }
0x2b: {  	[sflag:s7] =	ssyncset.done $0x0  }
0x2c: {  	[sflag:s7] =	ssyncadd.s32 $0xFFFFFF80  }
0x2d: {  	v3 =	vld [tilespmem:$0x0];
	_ =	sdelay $0x4  }
0x2e: {  	v4 =	vshrl.u32 v3, $0x3  }
0x2f: {  	v4 =	vmul.u32 $0x30, v4  }
0x30: {  	v3 =	vand.u32 $0x7, v3  }
0x31: {  	v3 =	vor.u32 v3, v4  }
0x32: {  	v4 =	vperm.xlane v3, v0;
	_ =	sdelay $0x1  }
0x33: {  	v4 =	vadd.s32 v1, v4;
	_ =	sdelay $0x3  }
0x34: {  	v3 =	vperm.xlane v3, v2  }
0x35: {  	[tilespmem:s8], [sflag:$0x1] =	stream.indirect_vreg.gather [hbm4b:s3+s2], $0x80, v4, vm0, $0xb8;
	[tilespmem:$0x18080] =	vst v63  }
0x36: {  	s0 =	rddreg [dreg:$0x6];
	v3 =	vadd.s32 v1, v3  }
0x37: {  	[tilespmem:s0], [sflag:$0x1] =	stream.indirect_vreg.gather [hbm4b:s4+s2], $0x80, v4, vm0, $0xb8;
	[tilespmem:$0x18080] =	vst v63  }
0x38: {  	s10 =	rddreg [dreg:$0x7]  }
0x39: {  	[tilespmem:s10], [sflag:$0x1] =	stream.indirect_vreg.gather [hbm4b:s5+s2], $0x80, v4, vm0, $0xb8;
	[tilespmem:$0x18080] =	vst v63  }
0x3a: {  	s0 =	rddreg [dreg:$0x8]  }
0x3b: {  	[tilespmem:s0], [sflag:$0x1] =	stream.indirect_vreg.gather [hbm4b:s3+s2], $0x80, v3, vm0, $0xb8;
	[tilespmem:$0x18080] =	vst v63  }
0x3c: {  	s10 =	rddreg [dreg:$0x9]  }
0x3d: {  	[tilespmem:s10], [sflag:$0x1] =	stream.indirect_vreg.gather [hbm4b:s4+s2], $0x80, v3, vm0, $0xb8;
	[tilespmem:$0x18080] =	vst v63  }
0x3e: {  	s0 =	rddreg [dreg:$0xa]  }
0x3f: {  	[tilespmem:s0], [sflag:$0x1] =	stream.indirect_vreg.gather [hbm4b:s5+s2], $0x80, v3, vm0, $0xb8;
	[tilespmem:$0x18080] =	vst v63  }
0x40: {  	v3 =	vld [tilespmem:$0x10];
	_ =	sdelay $0x4  }
0x41: {  	v57 =	vshrl.u32 v3, $0x3  }
0x42: {  	v4 =	vmul.u32 $0x30, v57  }
0x43: {  	v3 =	vand.u32 $0x7, v3  }
0x44: {  	v3 =	vor.u32 v3, v4  }
0x45: {  	v4 =	vperm.xlane v3, v0;
	_ =	sdelay $0x1  }
0x46: {  	v4 =	vadd.s32 v1, v4;
	_ =	sdelay $0x3  }
0x47: {  	s0 =	rddreg [dreg:$0xb];
	v3 =	vperm.xlane v3, v2  }
0x48: {  	[tilespmem:s0], [sflag:$0x1] =	stream.indirect_vreg.gather [hbm4b:s3+s2], $0x80, v4, vm0, $0xb8;
	[tilespmem:$0x18080] =	vst v63  }
0x49: {  	s10 =	rddreg [dreg:$0xc];
	v3 =	vadd.s32 v1, v3  }
0x4a: {  	[tilespmem:s10], [sflag:$0x1] =	stream.indirect_vreg.gather [hbm4b:s4+s2], $0x80, v4, vm0, $0xb8;
	[tilespmem:$0x18080] =	vst v63  }
0x4b: {  	s0 =	rddreg [dreg:$0xd]  }
0x4c: {  	[tilespmem:s0], [sflag:$0x1] =	stream.indirect_vreg.gather [hbm4b:s5+s2], $0x80, v4, vm0, $0xb8;
	[tilespmem:$0x18080] =	vst v63  }
0x4d: {  	s10 =	rddreg [dreg:$0xe]  }
0x4e: {  	[tilespmem:s10], [sflag:$0x1] =	stream.indirect_vreg.gather [hbm4b:s3+s2], $0x80, v3, vm0, $0xb8;
	[tilespmem:$0x18080] =	vst v63  }
0x4f: {  	s0 =	rddreg [dreg:$0xf]  }
0x50: {  	[tilespmem:s0], [sflag:$0x1] =	stream.indirect_vreg.gather [hbm4b:s4+s2], $0x80, v3, vm0, $0xb8;
	[tilespmem:$0x18080] =	vst v63  }
0x51: {  	s10 =	rddreg [dreg:$0x10]  }
0x52: {  	[tilespmem:s10], [sflag:$0x1] =	stream.indirect_vreg.gather [hbm4b:s5+s2], $0x80, v3, vm0, $0xb8;
	[tilespmem:$0x18080] =	vst v63  }
0x53: {  	v3 =	vld [tilespmem:$0x20];
	_ =	sdelay $0x4  }
0x54: {  	v58 =	vshrl.u32 v3, $0x3  }
0x55: {  	v4 =	vmul.u32 $0x30, v58  }
0x56: {  	v3 =	vand.u32 $0x7, v3  }
0x57: {  	v3 =	vor.u32 v3, v4  }
0x58: {  	v4 =	vperm.xlane v3, v0;
	_ =	sdelay $0x1  }
0x59: {  	v4 =	vadd.s32 v1, v4;
	_ =	sdelay $0x3  }
0x5a: {  	s0 =	rddreg [dreg:$0x11];
	v3 =	vperm.xlane v3, v2  }
0x5b: {  	[tilespmem:s0], [sflag:$0x1] =	stream.indirect_vreg.gather [hbm4b:s3+s2], $0x80, v4, vm0, $0xb8;
	[tilespmem:$0x18080] =	vst v63  }
0x5c: {  	s10 =	rddreg [dreg:$0x12];
	v3 =	vadd.s32 v1, v3  }
0x5d: {  	[tilespmem:s10], [sflag:$0x1] =	stream.indirect_vreg.gather [hbm4b:s4+s2], $0x80, v4, vm0, $0xb8;
	[tilespmem:$0x18080] =	vst v63  }
0x5e: {  	s0 =	rddreg [dreg:$0x13]  }
0x5f: {  	[tilespmem:s0], [sflag:$0x1] =	stream.indirect_vreg.gather [hbm4b:s5+s2], $0x80, v4, vm0, $0xb8;
	[tilespmem:$0x18080] =	vst v63  }
0x60: {  	s10 =	rddreg [dreg:$0x14]  }
0x61: {  	[tilespmem:s10], [sflag:$0x1] =	stream.indirect_vreg.gather [hbm4b:s3+s2], $0x80, v3, vm0, $0xb8;
	[tilespmem:$0x18080] =	vst v63  }
0x62: {  	s0 =	rddreg [dreg:$0x15]  }
0x63: {  	[tilespmem:s0], [sflag:$0x1] =	stream.indirect_vreg.gather [hbm4b:s4+s2], $0x80, v3, vm0, $0xb8;
	[tilespmem:$0x18080] =	vst v63  }
0x64: {  	s10 =	rddreg [dreg:$0x16]  }
0x65: {  	[tilespmem:s10], [sflag:$0x1] =	stream.indirect_vreg.gather [hbm4b:s5+s2], $0x80, v3, vm0, $0xb8;
	[tilespmem:$0x18080] =	vst v63  }
0x66: {  	v3 =	vld [tilespmem:$0x30];
	_ =	sdelay $0x4  }
0x67: {  	v59 =	vshrl.u32 v3, $0x3  }
0x68: {  	v4 =	vmul.u32 $0x30, v59  }
0x69: {  	v3 =	vand.u32 $0x7, v3  }
0x6a: {  	v3 =	vor.u32 v3, v4  }
0x6b: {  	v4 =	vperm.xlane v3, v0;
	_ =	sdelay $0x1  }
0x6c: {  	v4 =	vadd.s32 v1, v4;
	_ =	sdelay $0x3  }
0x6d: {  	s0 =	rddreg [dreg:$0x17];
	v3 =	vperm.xlane v3, v2  }
0x6e: {  	[tilespmem:s0], [sflag:$0x1] =	stream.indirect_vreg.gather [hbm4b:s3+s2], $0x80, v4, vm0, $0xb8;
	[tilespmem:$0x18080] =	vst v63  }
0x6f: {  	s10 =	rddreg [dreg:$0x18];
	v3 =	vadd.s32 v1, v3  }
0x70: {  	[tilespmem:s10], [sflag:$0x1] =	stream.indirect_vreg.gather [hbm4b:s4+s2], $0x80, v4, vm0, $0xb8;
	[tilespmem:$0x18080] =	vst v63  }
0x71: {  	s0 =	rddreg [dreg:$0x19]  }
0x72: {  	[tilespmem:s0], [sflag:$0x1] =	stream.indirect_vreg.gather [hbm4b:s5+s2], $0x80, v4, vm0, $0xb8;
	[tilespmem:$0x18080] =	vst v63  }
0x73: {  	s10 =	rddreg [dreg:$0x1a]  }
0x74: {  	[tilespmem:s10], [sflag:$0x1] =	stream.indirect_vreg.gather [hbm4b:s3+s2], $0x80, v3, vm0, $0xb8;
	[tilespmem:$0x18080] =	vst v63  }
0x75: {  	s0 =	rddreg [dreg:$0x1b]  }
0x76: {  	[tilespmem:s0], [sflag:$0x1] =	stream.indirect_vreg.gather [hbm4b:s4+s2], $0x80, v3, vm0, $0xb8;
	[tilespmem:$0x18080] =	vst v63  }
0x77: {  	s10 =	rddreg [dreg:$0x1c]  }
0x78: {  	[tilespmem:s10], [sflag:$0x1] =	stream.indirect_vreg.gather [hbm4b:s5+s2], $0x80, v3, vm0, $0xb8;
	[tilespmem:$0x18080] =	vst v63  }
0x79: {  	v3 =	vld [tilespmem:$0x40];
	_ =	sdelay $0x4  }
0x7a: {  	v60 =	vshrl.u32 v3, $0x3  }
0x7b: {  	v4 =	vmul.u32 $0x30, v60  }
0x7c: {  	v3 =	vand.u32 $0x7, v3  }
0x7d: {  	v3 =	vor.u32 v3, v4  }
0x7e: {  	v4 =	vperm.xlane v3, v0;
	_ =	sdelay $0x1  }
0x7f: {  	v4 =	vadd.s32 v1, v4;
	_ =	sdelay $0x3  }
0x80: {  	s0 =	rddreg [dreg:$0x1d];
	v3 =	vperm.xlane v3, v2  }
0x81: {  	[tilespmem:s9], [sflag:$0x2] =	stream.indirect_vreg.gather [hbm4b:s3+s2], $0x80, v4, vm0, $0xb8;
	[tilespmem:$0x18080] =	vst v63  }
0x82: {  	s10 =	rddreg [dreg:$0x1e];
	v3 =	vadd.s32 v1, v3  }
0x83: {  	[tilespmem:s0], [sflag:$0x2] =	stream.indirect_vreg.gather [hbm4b:s4+s2], $0x80, v4, vm0, $0xb8;
	[tilespmem:$0x18080] =	vst v63  }
0x84: {  	s0 =	rddreg [dreg:$0x1f]  }
0x85: {  	[tilespmem:s10], [sflag:$0x2] =	stream.indirect_vreg.gather [hbm4b:s5+s2], $0x80, v4, vm0, $0xb8;
	[tilespmem:$0x18080] =	vst v63  }
0x86: {  	s10 =	sld [smem:$0x7FC]  }
0x87: {  	[tilespmem:s0], [sflag:$0x2] =	stream.indirect_vreg.gather [hbm4b:s3+s2], $0x80, v3, vm0, $0xb8;
	[tilespmem:$0x18080] =	vst v63  }
0x88: {  	s0 =	sld [smem:$0x7FD]  }
0x89: {  	[tilespmem:s10], [sflag:$0x2] =	stream.indirect_vreg.gather [hbm4b:s4+s2], $0x80, v3, vm0, $0xb8;
	[tilespmem:$0x18080] =	vst v63  }
0x8a: {  	_ = 	snop  }
0x8b: {  	[tilespmem:s0], [sflag:$0x2] =	stream.indirect_vreg.gather [hbm4b:s5+s2], $0x80, v3, vm0, $0xb8;
	[tilespmem:$0x18080] =	vst v63  }
0x8c: {  	v3 =	vld [tilespmem:$0x50];
	_ =	sdelay $0x4  }
0x8d: {  	v61 =	vshrl.u32 v3, $0x3  }
0x8e: {  	v4 =	vmul.u32 $0x30, v61  }
0x8f: {  	v3 =	vand.u32 $0x7, v3  }
0x90: {  	v3 =	vor.u32 v3, v4  }
0x91: {  	v4 =	vperm.xlane v3, v0;
	_ =	sdelay $0x1  }
0x92: {  	v4 =	vadd.s32 v1, v4;
	_ =	sdelay $0x3  }
0x93: {  	s10 =	simm.s32 $0xF080;
	v3 =	vperm.xlane v3, v2  }
0x94: {  	[tilespmem:s10], [sflag:$0x2] =	stream.indirect_vreg.gather [hbm4b:s3+s2], $0x80, v4, vm0, $0xb8;
	[tilespmem:$0x18080] =	vst v63  }
0x95: {  	v3 =	vadd.s32 v1, v3  }
0x96: {  	[tilespmem:s11], [sflag:$0x2] =	stream.indirect_vreg.gather [hbm4b:s4+s2], $0x80, v4, vm0, $0xb8;
	[tilespmem:$0x18080] =	vst v63  }
0x97: {  	_ = 	snop  }
0x98: {  	[tilespmem:s12], [sflag:$0x2] =	stream.indirect_vreg.gather [hbm4b:s5+s2], $0x80, v4, vm0, $0xb8;
	[tilespmem:$0x18080] =	vst v63  }
0x99: {  	_ = 	snop  }
0x9a: {  	[tilespmem:s13], [sflag:$0x2] =	stream.indirect_vreg.gather [hbm4b:s3+s2], $0x80, v3, vm0, $0xb8;
	[tilespmem:$0x18080] =	vst v63  }
0x9b: {  	_ = 	snop  }
0x9c: {  	[tilespmem:s14], [sflag:$0x2] =	stream.indirect_vreg.gather [hbm4b:s4+s2], $0x80, v3, vm0, $0xb8;
	[tilespmem:$0x18080] =	vst v63  }
0x9d: {  	_ = 	snop  }
0x9e: {  	[tilespmem:s15], [sflag:$0x2] =	stream.indirect_vreg.gather [hbm4b:s5+s2], $0x80, v3, vm0, $0xb8;
	[tilespmem:$0x18080] =	vst v63  }
0x9f: {  	v3 =	vld [tilespmem:$0x60];
	_ =	sdelay $0x4  }
0xa0: {  	v62 =	vshrl.u32 v3, $0x3  }
0xa1: {  	v4 =	vmul.u32 $0x30, v62  }
0xa2: {  	v3 =	vand.u32 $0x7, v3  }
0xa3: {  	v3 =	vor.u32 v3, v4  }
0xa4: {  	v4 =	vperm.xlane v3, v0;
	_ =	sdelay $0x1  }
0xa5: {  	v4 =	vadd.s32 v1, v4;
	_ =	sdelay $0x3  }
0xa6: {  	v3 =	vperm.xlane v3, v2  }
0xa7: {  	[tilespmem:s16], [sflag:$0x2] =	stream.indirect_vreg.gather [hbm4b:s3+s2], $0x80, v4, vm0, $0xb8;
	[tilespmem:$0x18080] =	vst v63  }
0xa8: {  	v3 =	vadd.s32 v1, v3  }
0xa9: {  	[tilespmem:s17], [sflag:$0x2] =	stream.indirect_vreg.gather [hbm4b:s4+s2], $0x80, v4, vm0, $0xb8;
	[tilespmem:$0x18080] =	vst v63  }
0xaa: {  	_ = 	snop  }
0xab: {  	[tilespmem:s18], [sflag:$0x2] =	stream.indirect_vreg.gather [hbm4b:s5+s2], $0x80, v4, vm0, $0xb8;
	[tilespmem:$0x18080] =	vst v63  }
0xac: {  	_ = 	snop  }
0xad: {  	[tilespmem:s19], [sflag:$0x2] =	stream.indirect_vreg.gather [hbm4b:s3+s2], $0x80, v3, vm0, $0xb8;
	[tilespmem:$0x18080] =	vst v63  }
0xae: {  	_ = 	snop  }
0xaf: {  	[tilespmem:s20], [sflag:$0x2] =	stream.indirect_vreg.gather [hbm4b:s4+s2], $0x80, v3, vm0, $0xb8;
	[tilespmem:$0x18080] =	vst v63  }
0xb0: {  	_ = 	snop  }
0xb1: {  	[tilespmem:s21], [sflag:$0x2] =	stream.indirect_vreg.gather [hbm4b:s5+s2], $0x80, v3, vm0, $0xb8;
	[tilespmem:$0x18080] =	vst v63  }
0xb2: {  	v3 =	vld [tilespmem:$0x70];
	_ =	sdelay $0x4  }
0xb3: {  	v63 =	vshrl.u32 v3, $0x3  }
0xb4: {  	v4 =	vmul.u32 $0x30, v63  }
0xb5: {  	v3 =	vand.u32 $0x7, v3  }
0xb6: {  	v3 =	vor.u32 v3, v4  }
0xb7: {  	v4 =	vperm.xlane v3, v0;
	_ =	sdelay $0x1  }
0xb8: {  	v4 =	vadd.s32 v1, v4;
	_ =	sdelay $0x3  }
0xb9: {  	v3 =	vperm.xlane v3, v2  }
0xba: {  	[tilespmem:s22], [sflag:$0x2] =	stream.indirect_vreg.gather [hbm4b:s3+s2], $0x80, v4, vm0, $0xb8;
	[tilespmem:$0x18080] =	vst v63  }
0xbb: {  	v3 =	vadd.s32 v1, v3  }
0xbc: {  	[tilespmem:s23], [sflag:$0x2] =	stream.indirect_vreg.gather [hbm4b:s4+s2], $0x80, v4, vm0, $0xb8;
	[tilespmem:$0x18080] =	vst v63  }
0xbd: {  	_ = 	snop  }
0xbe: {  	[tilespmem:s24], [sflag:$0x2] =	stream.indirect_vreg.gather [hbm4b:s5+s2], $0x80, v4, vm0, $0xb8;
	[tilespmem:$0x18080] =	vst v63  }
0xbf: {  	_ = 	snop  }
0xc0: {  	[tilespmem:s25], [sflag:$0x2] =	stream.indirect_vreg.gather [hbm4b:s3+s2], $0x80, v3, vm0, $0xb8;
	[tilespmem:$0x18080] =	vst v63  }
0xc1: {  	_ = 	snop  }
0xc2: {  	[tilespmem:s26], [sflag:$0x2] =	stream.indirect_vreg.gather [hbm4b:s4+s2], $0x80, v3, vm0, $0xb8;
	[tilespmem:$0x18080] =	vst v63  }
0xc3: {  	_ = 	snop  }
0xc4: {  	[tilespmem:s28], [sflag:$0x2] =	stream.indirect_vreg.gather [hbm4b:s5+s2], $0x80, v3, vm0, $0xb8;
	[tilespmem:$0x18080] =	vst v63  }
0xc5: {  	_ =	swait.ge [sflag:s29], $0xC000  }
0xc6: {  	[sflag:s29] =	ssyncset.done $0x0  }
0xc7: {  	s10 =	rddreg [dreg:$0x4];
	[sflag:s29] =	ssyncadd.s32 $0xFFFF4000  }
0xc8: {  	[hbm4b:s10+s2] =	stream.linear.scatter [tilespmem:s8], [sflag:$0x3], $0xC000, $0x38;
	[tilespmem:$0x18080] =	vst v63  }
0xc9: {  	_ =	swait.ge [sflag:s30], $0xC000  }
0xca: {  	[sflag:s30] =	ssyncset.done $0x0  }
0xcb: {  	s10 =	rddreg [dreg:$0x5];
	[sflag:s30] =	ssyncadd.s32 $0xFFFF4000  }
0xcc: {  	[hbm4b:s10+s2] =	stream.linear.scatter [tilespmem:s9], [sflag:$0x4], $0xC000, $0x38;
	[tilespmem:$0x18080] =	vst v63  }
0xcd: {  	p0 =	sne.s32 s6, $0x1;
	_ =	swait.ge [sflag:s31], $0xC000  }
.Ltmp0:
0xce: {  	[sflag:s31] =	ssyncset.done $0x0;
	(pc) =	sbr.rel @p0 .LBB2_1-.Ltmp0, $4  }
0xcf: {  	[sflag:s31] =	ssyncadd.s32 $0xFFFF4000  }
0xd0: {  	_ =	swait.ge [sflag:s1], $0xC000  }
0xd1: {  	[sflag:s1] =	ssyncset.done $0x0  }
0xd2: {  	s6 =	sadd.s32 $0xFFFFFFFF, s6;
	[sflag:s1] =	ssyncadd.s32 $0xFFFF4000  }
0xd3: {  	_ =	sfence.sel $0x180000  }
0xd4: {  	[bflag:$0x0] =	sbarrier.arrive $0xFFFF  }
0xd5: {  	_ =	strace $0x9000004A  }
0xd6: {  	s0 =	stileid.u32;
	[bflag:$0x2] =	sbarrier.arrive $0xFFFF  }
0xd7: {  	p0 =	sne.s32 s0, $0x0;
	s0 =	rddreg [dreg:$0x2]  }
0xd8: {  	s0 =	sadd.s32 @!p0 $0x100000, s0  }
0xd9: {  	[sflag:s0] =	ssyncadd.tile.s32 @!p0 $0x1;
	_ =	shalt  }
.Lfunc_end2:
_tile_overlayer_lowered:
.L_overlay_start_2:
0xda: {  	(tag) =	ssettag $0x2  }
0xdb: {  	s0 =	rddreg [dreg:$0x0];
	s2 =	stileid.u32  }
0xdc: {  	s1 =	rddreg [dreg:$0x1];
	p0 =	sne.s32 s2, $0x0  }
0xdd: {  	s3 =	rddreg [dreg:$0x2];
	[bflag:$0x3] =	sbarrier.arrive $0xFFFF;
	s2 =	simm.s32 @!p0 $0x1C05  }
0xde: {  	[timem:s3], [sflag:s2] =	dma.local @!p0 [hbm:s0], s1  }
0xdf: {  	s0 =	simm.s32 @!p0 $0x5  }
0xe0: {  	_ =	swait.ge @!p0 [sflag:s0], s1  }
0xe1: {  	s1 =	ssub.s32 @!p0 $0x0, s1;
	[sflag:s0] =	ssyncset.done @!p0 $0x0  }
0xe2: {  	[sflag:s0] =	ssyncadd.s32 @!p0 s1  }
0xe3: {  	[bflag:$0x3] =	sbarrier.arrive $0xFFFF  }
0xe4: {  	_ =	shalt  }

// kernel: sc_scatter_xs.3.cloned.1.call-start
scs
__scs_entry_jumppad:
0x0: {  	(pc) =	sbr.rel $0x88, $3  }
0x1: {  	(tag) =	ssettag $0x0;
	lr =	simm.s32 $0x1  }
0x2: {  	[smem:$0x3F98] =	sst lr;
	_ =	strace $0xD0000000  }
0x3: {  	_ = 	snop  }
0x4: {  	_ = 	snop  }
0x5: {  	_ = 	snop  }
0x6: {  	_ = 	snop  }
0x7: {  	_ = 	snop  }
__scs_overlays_trampoline_lowered:
0x8: {  	[smem:$0x3FA7] =	sst s0  }
0x9: {  	[smem:$0x3FA8] =	sst s1  }
0xa: {  	[smem:$0x3FA9] =	sst s2  }
0xb: {  	[smem:$0x3FAA] =	sst s3  }
0xc: {  	[smem:$0x3FAB] =	sst s4  }
0xd: {  	[smem:$0x3FAC] =	sst s5  }
0xe: {  	[smem:$0x3FAD] =	sst s6  }
0xf: {  	[smem:$0x3FAE] =	sst s7  }
0x10: {  	[smem:$0x3FAF] =	sst s8  }
0x11: {  	[smem:$0x3FB0] =	sst s9;
	s0 =	simm.s32 @!p0 $0x0  }
0x12: {  	s1 =	sld [smem:$0x3F96];
	s0 =	simm.s32 @p0 $0x1  }
0x13: {  	[smem:$0x3FB1] =	sst s0;
	s0 =	simm.s32 @!p1 $0x0  }
0x14: {  	s2 =	sld [smem:$0x3F95];
	s0 =	simm.s32 @p1 $0x1  }
0x15: {  	[smem:$0x3FB2] =	sst s0;
	s0 =	simm.s32 @!p2 $0x0  }
0x16: {  	s3 =	sld [smem:$0x3FDB];
	s0 =	simm.s32 @p2 $0x1  }
0x17: {  	s4 =	simm.s32 $0x1BF5;
	[smem:$0x3FB4] =	sst s0  }
0x18: {  	s0 =	sld [smem:$0x3F97];
	_ =	swait.ge [sflag:s4], $0x0  }
0x19: {  	s7 =	sld [smem:$0x3F98]  }
0x1a: {  	s8 =	sadd.s32 $0xFFFFE003, lr  }
0x1b: {  	s9 =	sadd.s32 $0xFFFFFEF7, lr;
	s5 =	simm.s32 $0xFFFFFFFF;
	p2 =	slt.u32 s8, $0xFFFFF086  }
0x1c: {  	p1 =	slt.u32 s9, $0xF7A;
	s5 =	simm.s32 @!p2 $0x0  }
0x1d: {  	s5 =	simm.s32 @p1 $0x1;
	p0 =	seq.s32 s7, s2  }
0x1e: {  	s7 =	smul.u32 @!p0 $0xF7A, s2;
	p2 =	seq.s32 @!p0 s5, $0x0  }
0x1f: {  	s9 =	smul.u32 $0xF7A, s1;
	s8 =	simm.s32 @!p0 $0x1BF5;
	p2 =	por !p2, p0  }
0x20: {  	[sflag:s8] =	ssyncset.s32 @!p0 $0xFFFFF086;
	s6 =	sadd.s32 @!p0 s3, s7;
	s7 =	simm.s32 @!p0 $0x108  }
0x21: {  	s3 =	sadd.s32 s3, s9;
	s6 =	sadd.s32 @!p0 $0x88, s6;
	s7 =	simm.s32 @p2 $0x1082  }
0x22: {  	[simem:s7], [sflag:s8] =	dma.local @!p0 [hbm:s6], $0xF7A  }
0x23: {  	s9 =	sor.u32 $0xD0000000, s2;
	s6 =	simm.s32 $0x108;
	_ =	swait.ge @!p0 [sflag:s8], $0x0  }
0x24: {  	s3 =	sadd.s32 $0x88, s3;
	s6 =	simm.s32 @!p1 $0x1082;
	[sflag:s4] =	ssyncset.s32 $0xFFFFF086  }
0x25: {  	[simem:s6], [sflag:s4] =	dma.local [hbm:s3], $0xF7A  }
0x26: {  	[smem:$0x3F98] =	sst s1;
	(tag) =	ssettag s2;
	_ =	strace s9  }
0x27: {  	s1 =	sld [smem:$0x3FA8]  }
0x28: {  	s2 =	sld [smem:$0x3FA9]  }
0x29: {  	s4 =	sld [smem:$0x3FAB]  }
0x2a: {  	p0 =	seq.s32 s5, $0x0;
	s5 =	sld [smem:$0x3FAC]  }
0x2b: {  	s6 =	sld [smem:$0x3FAD]  }
0x2c: {  	s7 =	sld [smem:$0x3FAE]  }
0x2d: {  	s3 =	simm.s32 $0x108;
	s8 =	sld [smem:$0x3FAF]  }
0x2e: {  	s3 =	simm.s32 @!p0 $0x1082;
	s9 =	sld [smem:$0x3FB0]  }
0x2f: {  	lr =	sadd.s32 s0, s3;
	s0 =	sld [smem:$0x3FA7]  }
0x30: {  	s3 =	sld [smem:$0x3FAA]  }
0x31: {  	[smem:$0x3FB3] =	sst s10  }
0x32: {  	s10 =	sld [smem:$0x3FB1];
	_ =	sdelay $0x3  }
0x33: {  	p0 =	seq.s32 s10, $0x1;
	s10 =	sld [smem:$0x3FB3];
	_ =	sdelay $0x3  }
0x34: {  	[smem:$0x3FB3] =	sst s10  }
0x35: {  	s10 =	sld [smem:$0x3FB2];
	_ =	sdelay $0x3  }
0x36: {  	p1 =	seq.s32 s10, $0x1;
	s10 =	sld [smem:$0x3FB3];
	_ =	sdelay $0x3  }
0x37: {  	[smem:$0x3FB3] =	sst s10  }
0x38: {  	s10 =	sld [smem:$0x3FB4]  }
0x39: {  	_ = 	snop;
	(pc) =	sbr.ind lr, $3  }
0x3a: {  	_ = 	snop  }
0x3b: {  	_ = 	snop  }
0x3c: {  	p2 =	seq.s32 s10, $0x1;
	s10 =	sld [smem:$0x3FB3]  }
0x3d: {  	_ =	shalt  }
0x3e: {  	_ =	shalt  }
0x3f: {  	_ =	shalt  }
0x40: {  	_ =	shalt  }
0x41: {  	_ =	shalt  }
0x42: {  	_ =	shalt  }
0x43: {  	_ =	shalt  }
0x44: {  	_ =	shalt  }
0x45: {  	_ =	shalt  }
0x46: {  	_ =	shalt  }
0x47: {  	_ =	shalt  }
0x48: {  	_ =	shalt  }
0x49: {  	_ =	shalt  }
0x4a: {  	_ =	shalt  }
0x4b: {  	_ =	shalt  }
0x4c: {  	_ =	shalt  }
0x4d: {  	_ =	shalt  }
0x4e: {  	_ =	shalt  }
0x4f: {  	_ =	shalt  }
0x50: {  	_ =	shalt  }
0x51: {  	_ =	shalt  }
0x52: {  	_ =	shalt  }
0x53: {  	_ =	shalt  }
0x54: {  	_ =	shalt  }
0x55: {  	_ =	shalt  }
0x56: {  	_ =	shalt  }
0x57: {  	_ =	shalt  }
0x58: {  	_ =	shalt  }
0x59: {  	_ =	shalt  }
0x5a: {  	_ =	shalt  }
0x5b: {  	_ =	shalt  }
0x5c: {  	_ =	shalt  }
0x5d: {  	_ =	shalt  }
0x5e: {  	_ =	shalt  }
0x5f: {  	_ =	shalt  }
0x60: {  	_ =	shalt  }
0x61: {  	_ =	shalt  }
0x62: {  	_ =	shalt  }
0x63: {  	_ =	shalt  }
0x64: {  	_ =	shalt  }
0x65: {  	_ =	shalt  }
0x66: {  	_ =	shalt  }
0x67: {  	_ =	shalt  }
0x68: {  	_ =	shalt  }
0x69: {  	_ =	shalt  }
0x6a: {  	_ =	shalt  }
0x6b: {  	_ =	shalt  }
0x6c: {  	_ =	shalt  }
0x6d: {  	_ =	shalt  }
0x6e: {  	_ =	shalt  }
0x6f: {  	_ =	shalt  }
0x70: {  	_ =	shalt  }
0x71: {  	_ =	shalt  }
0x72: {  	_ =	shalt  }
0x73: {  	_ =	shalt  }
0x74: {  	_ =	shalt  }
0x75: {  	_ =	shalt  }
0x76: {  	_ =	shalt  }
0x77: {  	_ =	shalt  }
0x78: {  	_ =	shalt  }
0x79: {  	_ =	shalt  }
0x7a: {  	_ =	shalt  }
0x7b: {  	_ =	shalt  }
0x7c: {  	_ =	shalt  }
0x7d: {  	_ =	shalt  }
0x7e: {  	_ =	shalt  }
0x7f: {  	_ =	shalt  }
0x80: {  	_ =	shalt  }
0x81: {  	_ =	shalt  }
0x82: {  	_ =	shalt  }
0x83: {  	_ =	shalt  }
0x84: {  	_ =	shalt  }
0x85: {  	_ =	shalt  }
0x86: {  	_ =	shalt  }
0x87: {  	_ =	shalt  }
.Lfunc_end0:
.L_simem_size_0:
called_computation_lowered:
.L_overlay_start_0:
0x88: {  	s2 =	sld [smem:$0x3FD9]  }
0x89: {  	s3 =	sld [smem:$0x3FFE];
	_ =	sdelay $0x1  }
0x8a: {  	s1 =	srdreg.scid  }
0x8b: {  	s0 =	sand.u32 $0x1, s1  }
0x8c: {  	s17 =	sshll.u32 s0, $0xA;
	s2 =	sadd.s32 s3, s2  }
0x8d: {  	s2 =	sadd.s32 s2, s17  }
0x8e: {  	[smem:$0x3FBF] =	sst s2  }
0x8f: {  	_ = 	snop  }
0x90: {  	s2 =	sld [smem:$0x3FC9]  }
0x91: {  	s18 =	sld [smem:$0x3FD0];
	(tm) =	ssettm $0x1  }
0x92: {  	s4 =	sld [smem:$0x3FFB];
	_ =	sdelay $0x3  }
0x93: {  	_ =	strace s4  }
0x94: {  	s4 =	sld [smem:$0x3FFC];
	_ =	sdelay $0x3  }
0x95: {  	_ =	strace s4  }
0x96: {  	s4 =	sld [smem:$0x3FFD];
	_ =	sdelay $0x3  }
0x97: {  	_ =	strace s4  }
0x98: {  	_ =	strace $0x8FFFFFFF  }
0x99: {  	s19 =	sld [smem:$0x3FDB];
	_ =	sdelay $0x1  }
0x9a: {  	s5 =	simm.s32 $_scs_section_size  }
0x9b: {  	s6 =	simm.s32 $_size__tile_overlayer_lowered;
	s7 =	simm.s32 $_tile_overlayer_lowered  }
0x9c: {  	s22 =	simm.s32 $0x1BFF;
	s21 =	sshll.u32 s7, $0x1;
	s4 =	sadd.s32 s5, s19  }
0x9d: {  	s8 =	simm.s32 $0x0;
	s20 =	sshll.u32 s6, $0x1;
	s6 =	sadd.s32 s21, s4  }
0x9e: {  	[timem:s8], [sflag:s22] =	dma.local [hbm:s6], s20  }
0x9f: {  	_ =	swait.ge [sflag:s22], s20  }
0xa0: {  	s5 =	ssub.s32 $0x0, s20;
	[sflag:s22] =	ssyncset.done $0x0  }
0xa1: {  	[sflag:s22] =	ssyncadd.s32 s5;
	_ =	sdelay $0x1  }
0xa2: {  	s23 =	simm.s32 $0x1B8B  }
0xa3: {  	_ =	swait.ge [sflag:s23], $0x1  }
0xa4: {  	[sflag:s23] =	ssyncset.done $0x0  }
0xa5: {  	s25 =	simm.s32 $0x1B8E;
	s24 =	sld [smem:$0x3FFE];
	[sflag:s23] =	ssyncadd.s32 $0xFFFFFFFF  }
0xa6: {  	s26 =	simm.s32 $execute0_lowered;
	[smem:$0x3FD2] =	sst s25  }
0xa7: {  	s6 =	sshll.u32 s26, $0x1;
	_ =	strace $0x80000046;
	[dreg:$0x1] =	wrdreg $0xFFFFFFFF  }
0xa8: {  	s28 =	simm.s32 $_size_execute0_lowered;
	s4 =	sadd.s32 s4, s6;
	[dreg:$0x0] =	wrdreg $0x0  }
0xa9: {  	s6 =	sshll.u32 s28, $0x1;
	[dreg:$0x2] =	wrdreg s4  }
0xaa: {  	[dreg:$0x3] =	wrdreg s6  }
0xab: {  	[dreg:$0x4] =	wrdreg $0xC0  }
0xac: {  	_ =	task [dreg:s8], $0x5FFFF  }
0xad: {  	[dreg:$0x1] =	wrdreg $0xFFFFFFFF  }
0xae: {  	[dreg:$0x0] =	wrdreg $0x60  }
0xaf: {  	[dreg:$0x2] =	wrdreg s2  }
0xb0: {  	[dreg:$0x3] =	wrdreg s18  }
0xb1: {  	[dreg:$0x4] =	wrdreg s24  }
0xb2: {  	[dreg:$0x5] =	wrdreg $0x9  }
0xb3: {  	_ =	task.clear_ibuf [dreg:s8], $0x6FFFF;
	_ =	strace $0x90000046  }
0xb4: {  	s29 =	simm.s32 $0x9;
	_ =	strace $0x80000048  }
0xb5: {  	_ =	swait.ge [sflag:s29], $0x1  }
0xb6: {  	[sflag:s29] =	ssyncadd.s32 $0xFFFFFFFF  }
0xb7: {  	_ =	strace $0x90000048  }
0xb8: {  	_ =	sfence  }
0xb9: {  	s30 =	sld [smem:$0x0];
	_ =	sdelay $0x2  }
0xba: {  	s31 =	sshll.u32 s1, $0xD;
	s1 =	sshrl.u32 s1, $0x2  }
0xbb: {  	s3 =	sand.u32 $0x4000, s31;
	s1 =	sadd.s32 s1, s30  }
0xbc: {  	s0 =	sor.u32 s3, s0;
	s1 =	sshll.u32 s1, $0x11  }
0xbd: {  	s0 =	sor.u32 s1, s0  }
0xbe: {  	s0 =	sadd.s32 $0x8F2B, s0  }
0xbf: {  	[sflag:s0] =	ssyncadd.remote.s32 $0x1  }
0xc0: {  	_ =	sfence.sel $0xFFFF  }
0xc1: {  	[dreg:$0x0] =	wrdreg $0xFFFFFFFF;
	(pc) =	sbr.abs _section_cstart, $3  }
0xc2: {  	[dreg:$0x1] =	wrdreg $0xFFFFFFFF  }
0xc3: {  	_ =	task.clear_ibuf [dreg:s8], $0x2FFFF;
	_ =	strace $0x9FFFFFFF  }
0xc4: {  	(tm) =	ssettm $0x7FFFFFFF  }
0xc5: {  	_ =	shalt  }
tec
execute0_lowered:
.L_overlay_start_1:
0x0: {  	(tag) =	ssettag $0x1  }
0x1: {  	s0 =	rddreg [dreg:$0x0]  }
0x2: {  	s1 =	srdreg.scid;
	s3 =	rddreg [dreg:$0x1]  }
0x3: {  	s2 =	stileid.u32;
	s6 =	rddreg [dreg:$0x2];
	s25 =	simm.s32 $0xC000  }
0x4: {  	s26 =	simm.s32 $0xC080;
	s8 =	simm.s32 $0x3;
	s11 =	simm.s32 $0x1800  }
0x5: {  	s12 =	simm.s32 $0x2000;
	s13 =	simm.s32 $0x2800;
	s14 =	simm.s32 $0x3000  }
0x6: {  	s15 =	simm.s32 $0x3800;
	s16 =	simm.s32 $0x4000;
	s17 =	simm.s32 $0x4800  }
0x7: {  	s18 =	simm.s32 $0x5000;
	s19 =	simm.s32 $0x5800;
	s20 =	simm.s32 $0x6000  }
0x8: {  	s21 =	simm.s32 $0x6800;
	s22 =	simm.s32 $0x7000;
	s28 =	simm.s32 $0x9800  }
0x9: {  	s29 =	simm.s32 $0xA000;
	s30 =	simm.s32 $0xA800;
	s31 =	simm.s32 $0xB000  }
0xa: {  	s1 =	sand.u32 $0x1, s1;
	s4 =	sshll.u32 s2, $0x4;
	s2 =	simm.s32 $0x0  }
0xb: {  	s5 =	sshll.u32 s1, $0x3;
	[smem:$0x7FF] =	sst s2;
	s1 =	ssub.s32 $0x2, s1  }
0xc: {  	s4 =	sor.u32 s5, s4;
	_ =	strace $0x80000047;
	[dreg:$0x6] =	wrdreg s25  }
0xd: {  	s23 =	sshrl.u32 s1, $0x1;
	[dreg:$0x7] =	wrdreg s26;
	s25 =	simm.s32 $0x8800  }
0xe: {  	s26 =	simm.s32 $0x9000;
	s5 =	smul.u32 $0x300, s4;
	s4 =	sadd.s32 s3, s4  }
0xf: {  	s1 =	ssub.s32 s1, s23;
	s23 =	simm.s32 $0x7800;
	s3 =	simm.s32 $0x2  }
0x10: {  	[dreg:$0x8] =	wrdreg s4;
	s24 =	sadd.s32 $0x100, s4;
	s4 =	sadd.s32 $0x1800, s6  }
0x11: {  	v2 =	vlaneseq.u32;
	s7 =	smax.u32 s1, $0x1;
	s1 =	simm.s32 $0xB800;
	s0 =	sadd.s32 s0, s5  }
0x12: {  	vm0 =	vmmov $0xffff;
	v1 =	vshrl.u32 v2, $0x3;
	[dreg:$0x5] =	wrdreg s24;
	s5 =	sadd.s32 $0x1900, s6;
	s6 =	sadd.s32 $0x1A00, s6  }
0x13: {  	v0 =	vand.u32 $0x7, v2;
	v2 =	vor.u32 $0x8, v2;
	v1 =	vmul.u32 $0x8, v1;
	s24 =	simm.s32 $0x8000;
	[dreg:$0x4] =	wrdreg s0;
	s0 =	simm.s32 $0x1  }
.LBB2_1:
0x14: {  	s9 =	rddreg [dreg:$0x4]  }
0x15: {  	[tilespmem:s2], [sflag:$0x3] =	stream.linear.gather [hbm4b:s9+s2], $0xC000, $0x38;
	[tilespmem:$0xC100] =	vst v63  }
0x16: {  	_ =	swait.ge [sflag:s8], $0xC000  }
0x17: {  	s9 =	rddreg [dreg:$0x6];
	[sflag:s8] =	ssyncset.done $0x0  }
0x18: {  	s10 =	rddreg [dreg:$0x8];
	[sflag:s8] =	ssyncadd.s32 $0xFFFF4000  }
0x19: {  	[tilespmem:s9], [sflag:$0x3] =	stream.linear.gather [hbm4b:s10+s2], $0x40, $0x38;
	[tilespmem:$0xC100] =	vst v63  }
0x1a: {  	_ =	swait.ge [sflag:s8], $0x40  }
0x1b: {  	s9 =	rddreg [dreg:$0x5];
	[sflag:s8] =	ssyncset.done $0x0  }
0x1c: {  	s10 =	rddreg [dreg:$0x7];
	[sflag:s8] =	ssyncadd.s32 $0xFFFFFFC0  }
0x1d: {  	[tilespmem:s10], [sflag:$0x3] =	stream.linear.gather [hbm4b:s9+s2], $0x40, $0x38;
	[tilespmem:$0xC100] =	vst v63  }
0x1e: {  	_ =	swait.ge [sflag:s8], $0x40  }
0x1f: {  	[sflag:s8] =	ssyncset.done $0x0  }
0x20: {  	[sflag:s8] =	ssyncadd.s32 $0xFFFFFFC0  }
0x21: {  	v3 =	vld [tilespmem:$0xC000];
	_ =	sdelay $0x4  }
0x22: {  	v4 =	vshrl.u32 v3, $0x3  }
0x23: {  	v4 =	vmul.u32 $0x30, v4  }
0x24: {  	v3 =	vand.u32 $0x7, v3  }
0x25: {  	v3 =	vor.u32 v3, v4  }
0x26: {  	v4 =	vperm.xlane v3, v0;
	_ =	sdelay $0x1  }
0x27: {  	v4 =	vadd.s32 v1, v4;
	_ =	sdelay $0x3  }
0x28: {  	v3 =	vperm.xlane v3, v2  }
0x29: {  	[hbm4b:s4+s2] =	stream.indirect_vreg.scatter [tilespmem:s2], [sflag:$0x1], $0x80, v4, vm0, $0xb8;
	[tilespmem:$0xC100] =	vst v63  }
0x2a: {  	s9 =	simm.s32 $0x800;
	v3 =	vadd.s32 v1, v3  }
0x2b: {  	[hbm4b:s5+s2] =	stream.indirect_vreg.scatter [tilespmem:s9], [sflag:$0x1], $0x80, v4, vm0, $0xb8;
	[tilespmem:$0xC100] =	vst v63  }
0x2c: {  	s10 =	simm.s32 $0x1000  }
0x2d: {  	[hbm4b:s6+s2] =	stream.indirect_vreg.scatter [tilespmem:s10], [sflag:$0x1], $0x80, v4, vm0, $0xb8;
	[tilespmem:$0xC100] =	vst v63  }
0x2e: {  	_ = 	snop  }
0x2f: {  	[hbm4b:s4+s2] =	stream.indirect_vreg.scatter [tilespmem:s11], [sflag:$0x1], $0x80, v3, vm0, $0xb8;
	[tilespmem:$0xC100] =	vst v63  }
0x30: {  	_ = 	snop  }
0x31: {  	[hbm4b:s5+s2] =	stream.indirect_vreg.scatter [tilespmem:s12], [sflag:$0x1], $0x80, v3, vm0, $0xb8;
	[tilespmem:$0xC100] =	vst v63  }
0x32: {  	_ = 	snop  }
0x33: {  	[hbm4b:s6+s2] =	stream.indirect_vreg.scatter [tilespmem:s13], [sflag:$0x1], $0x80, v3, vm0, $0xb8;
	[tilespmem:$0xC100] =	vst v63  }
0x34: {  	v3 =	vld [tilespmem:$0xC010];
	_ =	sdelay $0x4  }
0x35: {  	v57 =	vshrl.u32 v3, $0x3  }
0x36: {  	v4 =	vmul.u32 $0x30, v57  }
0x37: {  	v3 =	vand.u32 $0x7, v3  }
0x38: {  	v3 =	vor.u32 v3, v4  }
0x39: {  	v4 =	vperm.xlane v3, v0;
	_ =	sdelay $0x1  }
0x3a: {  	v4 =	vadd.s32 v1, v4;
	_ =	sdelay $0x3  }
0x3b: {  	v3 =	vperm.xlane v3, v2  }
0x3c: {  	[hbm4b:s4+s2] =	stream.indirect_vreg.scatter [tilespmem:s14], [sflag:$0x1], $0x80, v4, vm0, $0xb8;
	[tilespmem:$0xC100] =	vst v63  }
0x3d: {  	v3 =	vadd.s32 v1, v3  }
0x3e: {  	[hbm4b:s5+s2] =	stream.indirect_vreg.scatter [tilespmem:s15], [sflag:$0x1], $0x80, v4, vm0, $0xb8;
	[tilespmem:$0xC100] =	vst v63  }
0x3f: {  	_ = 	snop  }
0x40: {  	[hbm4b:s6+s2] =	stream.indirect_vreg.scatter [tilespmem:s16], [sflag:$0x1], $0x80, v4, vm0, $0xb8;
	[tilespmem:$0xC100] =	vst v63  }
0x41: {  	_ = 	snop  }
0x42: {  	[hbm4b:s4+s2] =	stream.indirect_vreg.scatter [tilespmem:s17], [sflag:$0x1], $0x80, v3, vm0, $0xb8;
	[tilespmem:$0xC100] =	vst v63  }
0x43: {  	_ = 	snop  }
0x44: {  	[hbm4b:s5+s2] =	stream.indirect_vreg.scatter [tilespmem:s18], [sflag:$0x1], $0x80, v3, vm0, $0xb8;
	[tilespmem:$0xC100] =	vst v63  }
0x45: {  	_ = 	snop  }
0x46: {  	[hbm4b:s6+s2] =	stream.indirect_vreg.scatter [tilespmem:s19], [sflag:$0x1], $0x80, v3, vm0, $0xb8;
	[tilespmem:$0xC100] =	vst v63  }
0x47: {  	v3 =	vld [tilespmem:$0xC020];
	_ =	sdelay $0x4  }
0x48: {  	v58 =	vshrl.u32 v3, $0x3  }
0x49: {  	v4 =	vmul.u32 $0x30, v58  }
0x4a: {  	v3 =	vand.u32 $0x7, v3  }
0x4b: {  	v3 =	vor.u32 v3, v4  }
0x4c: {  	v4 =	vperm.xlane v3, v0;
	_ =	sdelay $0x1  }
0x4d: {  	v4 =	vadd.s32 v1, v4;
	_ =	sdelay $0x3  }
0x4e: {  	v3 =	vperm.xlane v3, v2  }
0x4f: {  	[hbm4b:s4+s2] =	stream.indirect_vreg.scatter [tilespmem:s20], [sflag:$0x1], $0x80, v4, vm0, $0xb8;
	[tilespmem:$0xC100] =	vst v63  }
0x50: {  	v3 =	vadd.s32 v1, v3  }
0x51: {  	[hbm4b:s5+s2] =	stream.indirect_vreg.scatter [tilespmem:s21], [sflag:$0x1], $0x80, v4, vm0, $0xb8;
	[tilespmem:$0xC100] =	vst v63  }
0x52: {  	_ = 	snop  }
0x53: {  	[hbm4b:s6+s2] =	stream.indirect_vreg.scatter [tilespmem:s22], [sflag:$0x1], $0x80, v4, vm0, $0xb8;
	[tilespmem:$0xC100] =	vst v63  }
0x54: {  	_ = 	snop  }
0x55: {  	[hbm4b:s4+s2] =	stream.indirect_vreg.scatter [tilespmem:s23], [sflag:$0x1], $0x80, v3, vm0, $0xb8;
	[tilespmem:$0xC100] =	vst v63  }
0x56: {  	_ = 	snop  }
0x57: {  	[hbm4b:s5+s2] =	stream.indirect_vreg.scatter [tilespmem:s24], [sflag:$0x1], $0x80, v3, vm0, $0xb8;
	[tilespmem:$0xC100] =	vst v63  }
0x58: {  	_ = 	snop  }
0x59: {  	[hbm4b:s6+s2] =	stream.indirect_vreg.scatter [tilespmem:s25], [sflag:$0x1], $0x80, v3, vm0, $0xb8;
	[tilespmem:$0xC100] =	vst v63  }
0x5a: {  	v3 =	vld [tilespmem:$0xC030];
	_ =	sdelay $0x4  }
0x5b: {  	v59 =	vshrl.u32 v3, $0x3  }
0x5c: {  	v4 =	vmul.u32 $0x30, v59  }
0x5d: {  	v3 =	vand.u32 $0x7, v3  }
0x5e: {  	v3 =	vor.u32 v3, v4  }
0x5f: {  	v4 =	vperm.xlane v3, v0;
	_ =	sdelay $0x1  }
0x60: {  	v4 =	vadd.s32 v1, v4;
	_ =	sdelay $0x3  }
0x61: {  	v3 =	vperm.xlane v3, v2  }
0x62: {  	[hbm4b:s4+s2] =	stream.indirect_vreg.scatter [tilespmem:s26], [sflag:$0x1], $0x80, v4, vm0, $0xb8;
	[tilespmem:$0xC100] =	vst v63  }
0x63: {  	v3 =	vadd.s32 v1, v3  }
0x64: {  	[hbm4b:s5+s2] =	stream.indirect_vreg.scatter [tilespmem:s28], [sflag:$0x1], $0x80, v4, vm0, $0xb8;
	[tilespmem:$0xC100] =	vst v63  }
0x65: {  	_ = 	snop  }
0x66: {  	[hbm4b:s6+s2] =	stream.indirect_vreg.scatter [tilespmem:s29], [sflag:$0x1], $0x80, v4, vm0, $0xb8;
	[tilespmem:$0xC100] =	vst v63  }
0x67: {  	_ = 	snop  }
0x68: {  	[hbm4b:s4+s2] =	stream.indirect_vreg.scatter [tilespmem:s30], [sflag:$0x1], $0x80, v3, vm0, $0xb8;
	[tilespmem:$0xC100] =	vst v63  }
0x69: {  	_ = 	snop  }
0x6a: {  	[hbm4b:s5+s2] =	stream.indirect_vreg.scatter [tilespmem:s31], [sflag:$0x1], $0x80, v3, vm0, $0xb8;
	[tilespmem:$0xC100] =	vst v63  }
0x6b: {  	_ = 	snop  }
0x6c: {  	[hbm4b:s6+s2] =	stream.indirect_vreg.scatter [tilespmem:s1], [sflag:$0x1], $0x80, v3, vm0, $0xb8;
	[tilespmem:$0xC100] =	vst v63  }
0x6d: {  	v3 =	vld [tilespmem:$0xC080];
	_ =	sdelay $0x4  }
0x6e: {  	v60 =	vshrl.u32 v3, $0x3  }
0x6f: {  	v4 =	vmul.u32 $0x30, v60  }
0x70: {  	v3 =	vand.u32 $0x7, v3  }
0x71: {  	v3 =	vor.u32 v3, v4  }
0x72: {  	v4 =	vperm.xlane v3, v0;
	_ =	sdelay $0x1  }
0x73: {  	v4 =	vadd.s32 v1, v4;
	_ =	sdelay $0x3  }
0x74: {  	v3 =	vperm.xlane v3, v2  }
0x75: {  	[hbm4b:s4+s2] =	stream.indirect_vreg.scatter [tilespmem:s2], [sflag:$0x2], $0x80, v4, vm0, $0xb8;
	[tilespmem:$0xC100] =	vst v63  }
0x76: {  	v3 =	vadd.s32 v1, v3  }
0x77: {  	[hbm4b:s5+s2] =	stream.indirect_vreg.scatter [tilespmem:s9], [sflag:$0x2], $0x80, v4, vm0, $0xb8;
	[tilespmem:$0xC100] =	vst v63  }
0x78: {  	_ = 	snop  }
0x79: {  	[hbm4b:s6+s2] =	stream.indirect_vreg.scatter [tilespmem:s10], [sflag:$0x2], $0x80, v4, vm0, $0xb8;
	[tilespmem:$0xC100] =	vst v63  }
0x7a: {  	_ = 	snop  }
0x7b: {  	[hbm4b:s4+s2] =	stream.indirect_vreg.scatter [tilespmem:s11], [sflag:$0x2], $0x80, v3, vm0, $0xb8;
	[tilespmem:$0xC100] =	vst v63  }
0x7c: {  	_ = 	snop  }
0x7d: {  	[hbm4b:s5+s2] =	stream.indirect_vreg.scatter [tilespmem:s12], [sflag:$0x2], $0x80, v3, vm0, $0xb8;
	[tilespmem:$0xC100] =	vst v63  }
0x7e: {  	_ = 	snop  }
0x7f: {  	[hbm4b:s6+s2] =	stream.indirect_vreg.scatter [tilespmem:s13], [sflag:$0x2], $0x80, v3, vm0, $0xb8;
	[tilespmem:$0xC100] =	vst v63  }
0x80: {  	v3 =	vld [tilespmem:$0xC090];
	_ =	sdelay $0x4  }
0x81: {  	v61 =	vshrl.u32 v3, $0x3  }
0x82: {  	v4 =	vmul.u32 $0x30, v61  }
0x83: {  	v3 =	vand.u32 $0x7, v3  }
0x84: {  	v3 =	vor.u32 v3, v4  }
0x85: {  	v4 =	vperm.xlane v3, v0;
	_ =	sdelay $0x1  }
0x86: {  	v4 =	vadd.s32 v1, v4;
	_ =	sdelay $0x3  }
0x87: {  	v3 =	vperm.xlane v3, v2  }
0x88: {  	[hbm4b:s4+s2] =	stream.indirect_vreg.scatter [tilespmem:s14], [sflag:$0x2], $0x80, v4, vm0, $0xb8;
	[tilespmem:$0xC100] =	vst v63  }
0x89: {  	v3 =	vadd.s32 v1, v3  }
0x8a: {  	[hbm4b:s5+s2] =	stream.indirect_vreg.scatter [tilespmem:s15], [sflag:$0x2], $0x80, v4, vm0, $0xb8;
	[tilespmem:$0xC100] =	vst v63  }
0x8b: {  	_ = 	snop  }
0x8c: {  	[hbm4b:s6+s2] =	stream.indirect_vreg.scatter [tilespmem:s16], [sflag:$0x2], $0x80, v4, vm0, $0xb8;
	[tilespmem:$0xC100] =	vst v63  }
0x8d: {  	_ = 	snop  }
0x8e: {  	[hbm4b:s4+s2] =	stream.indirect_vreg.scatter [tilespmem:s17], [sflag:$0x2], $0x80, v3, vm0, $0xb8;
	[tilespmem:$0xC100] =	vst v63  }
0x8f: {  	_ = 	snop  }
0x90: {  	[hbm4b:s5+s2] =	stream.indirect_vreg.scatter [tilespmem:s18], [sflag:$0x2], $0x80, v3, vm0, $0xb8;
	[tilespmem:$0xC100] =	vst v63  }
0x91: {  	_ = 	snop  }
0x92: {  	[hbm4b:s6+s2] =	stream.indirect_vreg.scatter [tilespmem:s19], [sflag:$0x2], $0x80, v3, vm0, $0xb8;
	[tilespmem:$0xC100] =	vst v63  }
0x93: {  	v3 =	vld [tilespmem:$0xC0A0];
	_ =	sdelay $0x4  }
0x94: {  	v62 =	vshrl.u32 v3, $0x3  }
0x95: {  	v4 =	vmul.u32 $0x30, v62  }
0x96: {  	v3 =	vand.u32 $0x7, v3  }
0x97: {  	v3 =	vor.u32 v3, v4  }
0x98: {  	v4 =	vperm.xlane v3, v0;
	_ =	sdelay $0x1  }
0x99: {  	v4 =	vadd.s32 v1, v4;
	_ =	sdelay $0x3  }
0x9a: {  	v3 =	vperm.xlane v3, v2  }
0x9b: {  	[hbm4b:s4+s2] =	stream.indirect_vreg.scatter [tilespmem:s20], [sflag:$0x2], $0x80, v4, vm0, $0xb8;
	[tilespmem:$0xC100] =	vst v63  }
0x9c: {  	v3 =	vadd.s32 v1, v3  }
0x9d: {  	[hbm4b:s5+s2] =	stream.indirect_vreg.scatter [tilespmem:s21], [sflag:$0x2], $0x80, v4, vm0, $0xb8;
	[tilespmem:$0xC100] =	vst v63  }
0x9e: {  	_ = 	snop  }
0x9f: {  	[hbm4b:s6+s2] =	stream.indirect_vreg.scatter [tilespmem:s22], [sflag:$0x2], $0x80, v4, vm0, $0xb8;
	[tilespmem:$0xC100] =	vst v63  }
0xa0: {  	_ = 	snop  }
0xa1: {  	[hbm4b:s4+s2] =	stream.indirect_vreg.scatter [tilespmem:s23], [sflag:$0x2], $0x80, v3, vm0, $0xb8;
	[tilespmem:$0xC100] =	vst v63  }
0xa2: {  	_ = 	snop  }
0xa3: {  	[hbm4b:s5+s2] =	stream.indirect_vreg.scatter [tilespmem:s24], [sflag:$0x2], $0x80, v3, vm0, $0xb8;
	[tilespmem:$0xC100] =	vst v63  }
0xa4: {  	_ = 	snop  }
0xa5: {  	[hbm4b:s6+s2] =	stream.indirect_vreg.scatter [tilespmem:s25], [sflag:$0x2], $0x80, v3, vm0, $0xb8;
	[tilespmem:$0xC100] =	vst v63  }
0xa6: {  	v3 =	vld [tilespmem:$0xC0B0];
	_ =	sdelay $0x4  }
0xa7: {  	v63 =	vshrl.u32 v3, $0x3  }
0xa8: {  	v4 =	vmul.u32 $0x30, v63  }
0xa9: {  	v3 =	vand.u32 $0x7, v3  }
0xaa: {  	v3 =	vor.u32 v3, v4  }
0xab: {  	v4 =	vperm.xlane v3, v0;
	_ =	sdelay $0x1  }
0xac: {  	v4 =	vadd.s32 v1, v4;
	_ =	sdelay $0x3  }
0xad: {  	v3 =	vperm.xlane v3, v2  }
0xae: {  	[hbm4b:s4+s2] =	stream.indirect_vreg.scatter [tilespmem:s26], [sflag:$0x2], $0x80, v4, vm0, $0xb8;
	[tilespmem:$0xC100] =	vst v63  }
0xaf: {  	v3 =	vadd.s32 v1, v3  }
0xb0: {  	[hbm4b:s5+s2] =	stream.indirect_vreg.scatter [tilespmem:s28], [sflag:$0x2], $0x80, v4, vm0, $0xb8;
	[tilespmem:$0xC100] =	vst v63  }
0xb1: {  	_ = 	snop  }
0xb2: {  	[hbm4b:s6+s2] =	stream.indirect_vreg.scatter [tilespmem:s29], [sflag:$0x2], $0x80, v4, vm0, $0xb8;
	[tilespmem:$0xC100] =	vst v63  }
0xb3: {  	_ = 	snop  }
0xb4: {  	[hbm4b:s4+s2] =	stream.indirect_vreg.scatter [tilespmem:s30], [sflag:$0x2], $0x80, v3, vm0, $0xb8;
	[tilespmem:$0xC100] =	vst v63  }
0xb5: {  	_ = 	snop  }
0xb6: {  	[hbm4b:s5+s2] =	stream.indirect_vreg.scatter [tilespmem:s31], [sflag:$0x2], $0x80, v3, vm0, $0xb8;
	[tilespmem:$0xC100] =	vst v63  }
0xb7: {  	_ = 	snop  }
0xb8: {  	[hbm4b:s6+s2] =	stream.indirect_vreg.scatter [tilespmem:s1], [sflag:$0x2], $0x80, v3, vm0, $0xb8;
	[tilespmem:$0xC100] =	vst v63  }
0xb9: {  	p0 =	sne.s32 s7, $0x1;
	_ =	swait.ge [sflag:s0], $0xC000  }
.Ltmp0:
0xba: {  	[sflag:s0] =	ssyncset.done $0x0;
	(pc) =	sbr.rel @p0 .LBB2_1-.Ltmp0, $4  }
0xbb: {  	[sflag:s0] =	ssyncadd.s32 $0xFFFF4000  }
0xbc: {  	_ =	swait.ge [sflag:s3], $0xC000  }
0xbd: {  	[sflag:s3] =	ssyncset.done $0x0  }
0xbe: {  	s7 =	sadd.s32 $0xFFFFFFFF, s7;
	[sflag:s3] =	ssyncadd.s32 $0xFFFF4000  }
0xbf: {  	_ =	sfence.sel $0x180000  }
0xc0: {  	[bflag:$0x0] =	sbarrier.arrive $0xFFFF  }
0xc1: {  	_ =	strace $0x90000047  }
0xc2: {  	s0 =	stileid.u32;
	[bflag:$0x2] =	sbarrier.arrive $0xFFFF  }
0xc3: {  	p0 =	sne.s32 s0, $0x0;
	s0 =	rddreg [dreg:$0x3]  }
0xc4: {  	s0 =	sadd.s32 @!p0 $0x100000, s0  }
0xc5: {  	[sflag:s0] =	ssyncadd.tile.s32 @!p0 $0x1;
	_ =	shalt  }
.Lfunc_end2:
_tile_overlayer_lowered:
.L_overlay_start_2:
0xc6: {  	(tag) =	ssettag $0x2  }
0xc7: {  	s0 =	rddreg [dreg:$0x0];
	s2 =	stileid.u32  }
0xc8: {  	s1 =	rddreg [dreg:$0x1];
	p0 =	sne.s32 s2, $0x0  }
0xc9: {  	s3 =	rddreg [dreg:$0x2];
	[bflag:$0x3] =	sbarrier.arrive $0xFFFF;
	s2 =	simm.s32 @!p0 $0x1C03  }
0xca: {  	[timem:s3], [sflag:s2] =	dma.local @!p0 [hbm:s0], s1  }
0xcb: {  	s0 =	simm.s32 @!p0 $0x3  }
0xcc: {  	_ =	swait.ge @!p0 [sflag:s0], s1  }
0xcd: {  	s1 =	ssub.s32 @!p0 $0x0, s1;
	[sflag:s0] =	ssyncset.done @!p0 $0x0  }
0xce: {  	[sflag:s0] =	ssyncadd.s32 @!p0 s1  }
0xcf: {  	[bflag:$0x3] =	sbarrier.arrive $0xFFFF  }
0xd0: {  	_ =	shalt  }

</sc_bundles>
